<compile_context>
chip_gen: v7x
topology: tpu7x:2x2x1
jax: 0.10.2.dev20260603
libtpu: 0.0.44.dev20260713+nightly
codegen_flags: <defaults>
</compile_context>

<pallas_src>
import functools

import jax
import jax.numpy as jnp
from jax import lax
from jax.experimental import pallas as pl
from jax.experimental.pallas import tpu as pltpu
from jax.experimental.pallas import tpu_sc as plsc

N_NODES = 100000
D_FEAT = 128
NUM_GRAPHS = 512
D_OUT = 128

_NC = 2
_NS = 16
_NW = _NC * _NS
_SUB = 80
_NSUB = 2
_NBUF = 5
_PF = 2
_GC = _SUB * _NSUB
_NCHUNKS = N_NODES // _GC
_Q, _R = divmod(_NCHUNKS, _NW)
_QMAX = _Q + 1
_NCHUNKS_PAD = _QMAX * _NW
_LANES = 16
_GROWS = NUM_GRAPHS // _NS
_NTMAX = _QMAX * _GC
_BCAP = NUM_GRAPHS + _LANES


def _seg_pool(nodes, idx3, idxflat, zrow, zcnt):
  mesh = plsc.VectorSubcoreMesh(core_axis_name="c", subcore_axis_name="s")

  @functools.partial(
      pl.kernel,
      mesh=mesh,
      out_type=(
          jax.ShapeDtypeStruct((_NC, NUM_GRAPHS, D_FEAT), jnp.float32),
          jax.ShapeDtypeStruct((_NC, _NS, NUM_GRAPHS), jnp.float32),
      ),
      scratch_types=(
          pltpu.VMEM((_NBUF, _GC, D_FEAT), jnp.float32),
          pltpu.VMEM((_QMAX, _NSUB, _SUB), jnp.int32),
          pltpu.VMEM((2 * _LANES + _NTMAX,), jnp.int32),
          pltpu.VMEM((_GROWS, D_FEAT), jnp.float32),
          pltpu.VMEM((NUM_GRAPHS,), jnp.float32),
          pltpu.VMEM_SHARED((NUM_GRAPHS, D_FEAT), jnp.float32),
      ) + (pltpu.SemaphoreType.DMA,) * (2 * _NBUF),
  )
  def k(nodes_hbm, idx_hbm, idxflat_hbm, zrow_hbm, zcnt_hbm, sums_hbm, cnts_hbm,
        rows_v, idx_v, idxf_v, zrow_v, cnt_v, sums_sh, *sems):
    cid = lax.axis_index("c")
    sid = lax.axis_index("s")
    wid = sid * _NC + cid

    pltpu.sync_copy(zrow_hbm, zrow_v)
    pltpu.sync_copy(zcnt_hbm, cnt_v)

    pltpu.sync_copy(zrow_v, sums_sh.at[pl.ds(sid * _GROWS, _GROWS)])
    plsc.subcore_barrier()

    start = wid * _Q + jnp.minimum(wid, _R)
    count = _Q + (wid < _R).astype(jnp.int32)
    nt = count * _GC

    st2 = jnp.minimum(start, _NCHUNKS - _QMAX)
    d = start - st2
    dd = d * _GC
    pltpu.sync_copy(idx_hbm.at[pl.ds(st2, _QMAX)], idx_v)
    pltpu.sync_copy(idxflat_hbm.at[pl.ds(st2 * _GC, _NTMAX)],
                    idxf_v.at[pl.ds(_LANES, _NTMAX)])

    gsems = sems[:_NBUF]
    ssems = sems[_NBUF:]
    _DL = _NBUF - _PF

    def gather(kk, b):
      return pltpu.make_async_copy(
          nodes_hbm.at[pl.ds((start + kk) * _GC, _GC)], rows_v.at[b], gsems[b])

    def sdesc(kk, b, j):
      return pltpu.make_async_copy(rows_v.at[b, pl.ds(j * _SUB, _SUB)],
                                   sums_sh.at[idx_v.at[kk + d, j]], ssems[b])

    for p in range(_PF):
      pl.when(p < count)(lambda p=p: gather(p, p).start())

    def body(g, _):
      for b in range(_NBUF):
        kk = _NBUF * g + b
        bp = (b + _PF) % _NBUF

        def work(kk=kk, b=b):
          gather(kk, b).wait()
          for j in range(_NSUB):
            pltpu.async_copy(rows_v.at[b, pl.ds(j * _SUB, _SUB)],
                             sums_sh.at[idx_v.at[kk + d, j]], ssems[b], add=True)
        pl.when(kk < count)(work)

        def drain_prev(kk=kk, bp=bp):
          for j in range(_NSUB):
            sdesc(kk - _DL, bp, j).wait()
        pl.when((kk >= _DL) & (kk - _DL < count))(drain_prev)

        def prefetch(kk=kk, bp=bp):
          gather(kk + _PF, bp).start()
        pl.when(kk + _PF < count)(prefetch)
      return 0
    _NSLOTS = -(-_QMAX // _NBUF) * _NBUF
    lax.fori_loop(0, _NSLOTS // _NBUF, body, 0)

    for s in range(_NSLOTS - _DL, _NSLOTS):
      def drain_tail(s=s):
        for j in range(_NSUB):
          sdesc(s, s % _NBUF, j).wait()
      pl.when(s < count)(drain_tail)

    lanes = lax.iota(jnp.int32, _LANES)

    def scan_win(m, w):
      off = m * _LANES + dd
      v0 = idxf_v[pl.ds(off + _LANES, _LANES)]
      pv = idxf_v[pl.ds(off + _LANES - 1, _LANES)]
      return w + jnp.where(v0 != pv, 1, 0)

    wv = lax.fori_loop(0, nt // _LANES, scan_win,
                       jnp.zeros((_LANES,), jnp.int32))
    fixv = jnp.where(idxf_v[pl.ds(dd, _LANES)][_LANES - 1]
                     == idxf_v[pl.ds(dd + _LANES, _LANES)][0], 1, 0)
    nruns = sum(wv[kq] for kq in range(_LANES)) + fixv

    def rdv(i):
      return idxf_v[pl.ds(i + dd + _LANES, _LANES)][0]

    def run_body(r, i):
      g = rdv(i)

      def bs_body(_, s):
        lo, hi = s
        mid = (lo + hi) // 2
        adv = (lo < hi) & (rdv(mid) == g)
        return (jnp.where(adv, mid + 1, lo),
                jnp.where(lo < hi, jnp.where(adv, hi, mid), hi))

      e, _2 = lax.fori_loop(0, 12, bs_body, (i + 1, nt))
      gb = jnp.minimum(g, NUM_GRAPHS - _LANES)
      upd = jnp.where(lanes == (g - gb), (e - i).astype(jnp.float32), 0.0)
      cnt_v[pl.ds(gb, _LANES)] = cnt_v[pl.ds(gb, _LANES)] + upd
      return e

    lax.fori_loop(0, nruns, run_body, 0)

    pltpu.sync_copy(cnt_v, cnts_hbm.at[cid, sid])
    plsc.subcore_barrier()
    pltpu.sync_copy(sums_sh.at[pl.ds(sid * _GROWS, _GROWS)],
                    sums_hbm.at[cid, pl.ds(sid * _GROWS, _GROWS)])

  return k(nodes, idx3, idxflat, zrow, zcnt)


def _head_body(ps_ref, pc_ref, w_ref, b_ref, o_ref):
  s = ps_ref[0] + ps_ref[1]
  c = jnp.sum(pc_ref[...], axis=(0, 1)).reshape(NUM_GRAPHS, 1)
  pooled = s / jnp.maximum(c, 1.0)
  o_ref[...] = lax.dot_general(
      pooled, w_ref[...], (((1,), (1,)), ((), ())),
      preferred_element_type=jnp.float32) + b_ref[...]


def kernel(node_representation, graph_index, W, b):
  gi = graph_index.astype(jnp.int32)
  idx3 = gi.reshape(_NCHUNKS, _NSUB, _SUB)
  idxflat = gi
  zrow = jnp.zeros((_GROWS, D_FEAT), jnp.float32)
  zcnt = jnp.zeros((NUM_GRAPHS,), jnp.float32)
  sums, cnts = _seg_pool(node_representation, idx3, idxflat, zrow, zcnt)
  out = pl.pallas_call(
      _head_body,
      out_shape=jax.ShapeDtypeStruct((NUM_GRAPHS, D_OUT), jnp.float32),
  )(sums, cnts, W, b.reshape(1, D_OUT))
  return out

# --- scband reference (transcript-rebuilt; emitter-appended) ---
"""Pipeline reference for scband-gnn-head-56736517980486 (READ-ONLY COPY).

The authoritative reference and input builder live on the scoring server;
editing this copy changes nothing except your own understanding.
"""

import jax, jax.numpy as jnp
import numpy as np

N_NODES = 100000
D_FEAT = 128
NUM_GRAPHS = 512
D_OUT = 128


def setup_inputs(seed: int = 0) -> dict:
    key = jax.random.key(seed)
    k1, k2, k3 = jax.random.split(key, 3)
    node_representation = jax.random.normal(k1, (N_NODES, D_FEAT), dtype=jnp.float32)
    graph_index = jnp.sort(jax.random.randint(k2, (N_NODES,), 0, NUM_GRAPHS, dtype=jnp.int64))
    W = jax.random.normal(k3, (D_OUT, D_FEAT), dtype=jnp.float32) * (1.0 / np.sqrt(D_FEAT))
    b = jnp.zeros((D_OUT,), dtype=jnp.float32)
    return {"node_representation": node_representation, "graph_index": graph_index, "W": W, "b": b}


def reference(node_representation, graph_index, W, b):
    # pool: global mean pool over graphs (scatter-add + count, SparseCore-friendly)
    seg_sum = jax.ops.segment_sum(node_representation, graph_index, num_segments=NUM_GRAPHS)
    counts = jax.ops.segment_sum(jnp.ones((node_representation.shape[0],), dtype=node_representation.dtype), graph_index, num_segments=NUM_GRAPHS)
    pooled = seg_sum / jnp.clip(counts, 1.0, None)[:, None]
    # head: linear layer
    out = pooled @ W.T + b
    return out

if __name__ == "__main__":
    import jax
    _d = setup_inputs()
    print(jax.jit(kernel)(*tuple(_d.values())))

</pallas_src>

<mosaic_0001>
#map = affine_map<(d0, d1) -> (0, 0)>
#map1 = affine_map<(d0, d1) -> (0, 0, 0)>
#map2 = affine_map<(d0, d1) -> (0)>
module attributes {stable_mosaic.version = 14 : i64} {
  func.func @k(%arg0: i32, %arg1: i32, %arg2: memref<100000x128xf32, #tpu.memory_space<hbm>>, %arg3: memref<625x2x80xi32, #tpu.memory_space<hbm>>, %arg4: memref<100000xi32, #tpu.memory_space<hbm>>, %arg5: memref<32x128xf32, #tpu.memory_space<hbm>>, %arg6: memref<512xf32, #tpu.memory_space<hbm>>, %arg7: memref<2x512x128xf32, #tpu.memory_space<hbm>>, %arg8: memref<2x16x512xf32, #tpu.memory_space<hbm>>, %arg9: memref<5x160x128xf32, #tpu.memory_space<vmem>>, %arg10: memref<20x2x80xi32, #tpu.memory_space<vmem>>, %arg11: memref<3232xi32, #tpu.memory_space<vmem>>, %arg12: memref<32x128xf32, #tpu.memory_space<vmem>>, %arg13: memref<512xf32, #tpu.memory_space<vmem>>, %arg14: memref<512x128xf32, #tpu.memory_space<vmem_shared>>, %arg15: memref<!tpu.dma_semaphore, #tpu.memory_space<semaphore_mem>>, %arg16: memref<!tpu.dma_semaphore, #tpu.memory_space<semaphore_mem>>, %arg17: memref<!tpu.dma_semaphore, #tpu.memory_space<semaphore_mem>>, %arg18: memref<!tpu.dma_semaphore, #tpu.memory_space<semaphore_mem>>, %arg19: memref<!tpu.dma_semaphore, #tpu.memory_space<semaphore_mem>>, %arg20: memref<!tpu.dma_semaphore, #tpu.memory_space<semaphore_mem>>, %arg21: memref<!tpu.dma_semaphore, #tpu.memory_space<semaphore_mem>>, %arg22: memref<!tpu.dma_semaphore, #tpu.memory_space<semaphore_mem>>, %arg23: memref<!tpu.dma_semaphore, #tpu.memory_space<semaphore_mem>>, %arg24: memref<!tpu.dma_semaphore, #tpu.memory_space<semaphore_mem>>) attributes {dimension_semantics = [#tpu.dimension_semantics<core_parallel>, #tpu.dimension_semantics<subcore_parallel>], iteration_bounds = array<i64: 2, 16>, scalar_prefetch = 0 : i64, scratch_operands = 16 : i64, tpu.core_type = #tpu.core_type<sc_vector_subcore>, window_params = [{transform_indices = #map}, {transform_indices = #map1}, {transform_indices = #map2}, {transform_indices = #map}, {transform_indices = #map2}, {transform_indices = #map1}, {transform_indices = #map1}]} {
    %mul3A = arith.constant 2 : i32
    %mul3A_0 = arith.muli %arg1, %mul3A : i32
    %add3A = arith.addi %mul3A_0, %arg0 : i32
    "tpu.region"() ({
      %run_scoped3A = tpu.sem_alloc : memref<!tpu.dma_semaphore, #tpu.memory_space<semaphore_mem>>
      tpu.enqueue_dma source(%arg5 : memref<32x128xf32, #tpu.memory_space<hbm>>) target(%arg12 : memref<32x128xf32, #tpu.memory_space<vmem>>) target_semaphore(%run_scoped3A : memref<!tpu.dma_semaphore, #tpu.memory_space<semaphore_mem>>)
      tpu.wait_dma2 semaphore(%run_scoped3A : memref<!tpu.dma_semaphore, #tpu.memory_space<semaphore_mem>>) src(%arg5 : memref<32x128xf32, #tpu.memory_space<hbm>>) dst(%arg12 : memref<32x128xf32, #tpu.memory_space<vmem>>)
      tpu.yield
    }) : () -> ()
    "tpu.region"() ({
      %run_scoped3A = tpu.sem_alloc : memref<!tpu.dma_semaphore, #tpu.memory_space<semaphore_mem>>
      tpu.enqueue_dma source(%arg6 : memref<512xf32, #tpu.memory_space<hbm>>) target(%arg13 : memref<512xf32, #tpu.memory_space<vmem>>) target_semaphore(%run_scoped3A : memref<!tpu.dma_semaphore, #tpu.memory_space<semaphore_mem>>)
      tpu.wait_dma2 semaphore(%run_scoped3A : memref<!tpu.dma_semaphore, #tpu.memory_space<semaphore_mem>>) src(%arg6 : memref<512xf32, #tpu.memory_space<hbm>>) dst(%arg13 : memref<512xf32, #tpu.memory_space<vmem>>)
      tpu.yield
    }) : () -> ()
    %mul3A_1 = arith.constant 32 : i32
    %mul3A_2 = arith.muli %arg1, %mul3A_1 : i32
    "tpu.region"() ({
      %run_scoped3A = tpu.sem_alloc : memref<!tpu.dma_semaphore, #tpu.memory_space<semaphore_mem>>
      %dma_start3A = arith.constant 0 : i32
      %dma_start3A_154 = tpu.memref_slice %arg14[%mul3A_2, %dma_start3A] : memref<512x128xf32, #tpu.memory_space<vmem_shared>> -> memref<32x128xf32, #tpu.memory_space<vmem_shared>>
      %dma_start3A_155 = arith.constant 0 : i32
      %dma_start3A_156 = tpu.memref_slice %arg14[%mul3A_2, %dma_start3A_155] : memref<512x128xf32, #tpu.memory_space<vmem_shared>> -> memref<32x128xf32, #tpu.memory_space<vmem_shared>>
      tpu.enqueue_dma source(%arg12 : memref<32x128xf32, #tpu.memory_space<vmem>>) target(%dma_start3A_156 : memref<32x128xf32, #tpu.memory_space<vmem_shared>>) target_semaphore(%run_scoped3A : memref<!tpu.dma_semaphore, #tpu.memory_space<semaphore_mem>>)
      %dma_wait3A = arith.constant 0 : i32
      %dma_wait3A_157 = tpu.memref_slice %arg14[%mul3A_2, %dma_wait3A] : memref<512x128xf32, #tpu.memory_space<vmem_shared>> -> memref<32x128xf32, #tpu.memory_space<vmem_shared>>
      %dma_wait3A_158 = arith.constant 0 : i32
      %dma_wait3A_159 = tpu.memref_slice %arg14[%mul3A_2, %dma_wait3A_158] : memref<512x128xf32, #tpu.memory_space<vmem_shared>> -> memref<32x128xf32, #tpu.memory_space<vmem_shared>>
      tpu.wait_dma2 semaphore(%run_scoped3A : memref<!tpu.dma_semaphore, #tpu.memory_space<semaphore_mem>>) src(%arg12 : memref<32x128xf32, #tpu.memory_space<vmem>>) dst(%dma_wait3A_159 : memref<32x128xf32, #tpu.memory_space<vmem_shared>>)
      tpu.yield
    }) : () -> ()
    %barrier3A = arith.constant 0 : index
    tpu.barrier barrier_id(%barrier3A)
    %mul3A_3 = arith.constant 19 : i32
    %mul3A_4 = arith.muli %add3A, %mul3A_3 : i32
    %min3A = arith.constant 17 : i32
    %min3A_5 = arith.minsi %add3A, %min3A : i32
    %add3A_6 = arith.addi %mul3A_4, %min3A_5 : i32
    %lt3A = arith.constant 17 : i32
    %lt3A_7 = arith.cmpi slt, %add3A, %lt3A : i32
    %convert_element_type3A = arith.extui %lt3A_7 : i1 to i32
    %add3A_8 = arith.constant 19 : i32
    %add3A_9 = arith.addi %add3A_8, %convert_element_type3A : i32
    %mul3A_10 = arith.constant 160 : i32
    %mul3A_11 = arith.muli %add3A_9, %mul3A_10 : i32
    %min3A_12 = arith.constant 605 : i32
    %min3A_13 = arith.minsi %add3A_6, %min3A_12 : i32
    %sub3A = arith.subi %add3A_6, %min3A_13 : i32
    %mul3A_14 = arith.constant 160 : i32
    %mul3A_15 = arith.muli %sub3A, %mul3A_14 : i32
    "tpu.region"() ({
      %run_scoped3A = tpu.sem_alloc : memref<!tpu.dma_semaphore, #tpu.memory_space<semaphore_mem>>
      %dma_start3A = arith.constant 0 : i32
      %dma_start3A_154 = arith.constant 0 : i32
      %dma_start3A_155 = tpu.memref_slice %arg3[%min3A_13, %dma_start3A, %dma_start3A_154] : memref<625x2x80xi32, #tpu.memory_space<hbm>> -> memref<20x2x80xi32, #tpu.memory_space<hbm>>
      %dma_start3A_156 = arith.constant 0 : i32
      %dma_start3A_157 = arith.constant 0 : i32
      %dma_start3A_158 = tpu.memref_slice %arg3[%min3A_13, %dma_start3A_156, %dma_start3A_157] : memref<625x2x80xi32, #tpu.memory_space<hbm>> -> memref<20x2x80xi32, #tpu.memory_space<hbm>>
      tpu.enqueue_dma source(%dma_start3A_158 : memref<20x2x80xi32, #tpu.memory_space<hbm>>) target(%arg10 : memref<20x2x80xi32, #tpu.memory_space<vmem>>) target_semaphore(%run_scoped3A : memref<!tpu.dma_semaphore, #tpu.memory_space<semaphore_mem>>)
      %dma_wait3A = arith.constant 0 : i32
      %dma_wait3A_159 = arith.constant 0 : i32
      %dma_wait3A_160 = tpu.memref_slice %arg3[%min3A_13, %dma_wait3A, %dma_wait3A_159] : memref<625x2x80xi32, #tpu.memory_space<hbm>> -> memref<20x2x80xi32, #tpu.memory_space<hbm>>
      %dma_wait3A_161 = arith.constant 0 : i32
      %dma_wait3A_162 = arith.constant 0 : i32
      %dma_wait3A_163 = tpu.memref_slice %arg3[%min3A_13, %dma_wait3A_161, %dma_wait3A_162] : memref<625x2x80xi32, #tpu.memory_space<hbm>> -> memref<20x2x80xi32, #tpu.memory_space<hbm>>
      tpu.wait_dma2 semaphore(%run_scoped3A : memref<!tpu.dma_semaphore, #tpu.memory_space<semaphore_mem>>) src(%dma_wait3A_163 : memref<20x2x80xi32, #tpu.memory_space<hbm>>) dst(%arg10 : memref<20x2x80xi32, #tpu.memory_space<vmem>>)
      tpu.yield
    }) : () -> ()
    %mul3A_16 = arith.constant 160 : i32
    %mul3A_17 = arith.muli %min3A_13, %mul3A_16 : i32
    "tpu.region"() ({
      %run_scoped3A = tpu.sem_alloc : memref<!tpu.dma_semaphore, #tpu.memory_space<semaphore_mem>>
      %dma_start3A = arith.constant 16 : i32
      %dma_start3A_154 = tpu.memref_slice %arg11[%dma_start3A] : memref<3232xi32, #tpu.memory_space<vmem>> -> memref<3200xi32, #tpu.memory_space<vmem>>
      %dma_start3A_155 = tpu.memref_slice %arg4[%mul3A_17] : memref<100000xi32, #tpu.memory_space<hbm>> -> memref<3200xi32, #tpu.memory_space<hbm>>
      %dma_start3A_156 = arith.constant 16 : i32
      %dma_start3A_157 = tpu.memref_slice %arg11[%dma_start3A_156] : memref<3232xi32, #tpu.memory_space<vmem>> -> memref<3200xi32, #tpu.memory_space<vmem>>
      %dma_start3A_158 = tpu.memref_slice %arg4[%mul3A_17] : memref<100000xi32, #tpu.memory_space<hbm>> -> memref<3200xi32, #tpu.memory_space<hbm>>
      tpu.enqueue_dma source(%dma_start3A_158 : memref<3200xi32, #tpu.memory_space<hbm>>) target(%dma_start3A_157 : memref<3200xi32, #tpu.memory_space<vmem>>) target_semaphore(%run_scoped3A : memref<!tpu.dma_semaphore, #tpu.memory_space<semaphore_mem>>)
      %dma_wait3A = arith.constant 16 : i32
      %dma_wait3A_159 = tpu.memref_slice %arg11[%dma_wait3A] : memref<3232xi32, #tpu.memory_space<vmem>> -> memref<3200xi32, #tpu.memory_space<vmem>>
      %dma_wait3A_160 = tpu.memref_slice %arg4[%mul3A_17] : memref<100000xi32, #tpu.memory_space<hbm>> -> memref<3200xi32, #tpu.memory_space<hbm>>
      %dma_wait3A_161 = arith.constant 16 : i32
      %dma_wait3A_162 = tpu.memref_slice %arg11[%dma_wait3A_161] : memref<3232xi32, #tpu.memory_space<vmem>> -> memref<3200xi32, #tpu.memory_space<vmem>>
      %dma_wait3A_163 = tpu.memref_slice %arg4[%mul3A_17] : memref<100000xi32, #tpu.memory_space<hbm>> -> memref<3200xi32, #tpu.memory_space<hbm>>
      tpu.wait_dma2 semaphore(%run_scoped3A : memref<!tpu.dma_semaphore, #tpu.memory_space<semaphore_mem>>) src(%dma_wait3A_163 : memref<3200xi32, #tpu.memory_space<hbm>>) dst(%dma_wait3A_162 : memref<3200xi32, #tpu.memory_space<vmem>>)
      tpu.yield
    }) : () -> ()
    %gt3A = arith.constant 0 : i32
    %gt3A_18 = arith.cmpi sgt, %add3A_9, %gt3A : i32
    %convert_element_type3A_19 = arith.extui %gt3A_18 : i1 to i32
    %cond3A = arith.constant 0 : i32
    %cond3A_20 = arith.cmpi ne, %convert_element_type3A_19, %cond3A : i32
    scf.if %cond3A_20 {
      %add3A_154 = arith.constant 0 : i32
      %add3A_155 = arith.addi %add3A_6, %add3A_154 : i32
      %mul3A_156 = arith.constant 160 : i32
      %mul3A_157 = arith.muli %add3A_155, %mul3A_156 : i32
      %dma_start3A = arith.constant 0 : i32
      %dma_start3A_158 = arith.constant 0 : i32
      %dma_start3A_159 = arith.constant 0 : i32
      %dma_start3A_160 = tpu.memref_slice %arg9[%dma_start3A, %dma_start3A_158, %dma_start3A_159] : memref<5x160x128xf32, #tpu.memory_space<vmem>> -> memref<1x160x128xf32, #tpu.memory_space<vmem>>
      %dma_start3A_161 = tpu.memref_squeeze %dma_start3A_160 : memref<1x160x128xf32, #tpu.memory_space<vmem>> -> memref<160x128xf32, #tpu.memory_space<vmem>>
      %dma_start3A_162 = arith.constant 0 : i32
      %dma_start3A_163 = tpu.memref_slice %arg2[%mul3A_157, %dma_start3A_162] : memref<100000x128xf32, #tpu.memory_space<hbm>> -> memref<160x128xf32, #tpu.memory_space<hbm>>
      %dma_start3A_164 = arith.constant 0 : i32
      %dma_start3A_165 = arith.constant 0 : i32
      %dma_start3A_166 = tpu.memref_slice %arg9[%dma_start3A, %dma_start3A_164, %dma_start3A_165] : memref<5x160x128xf32, #tpu.memory_space<vmem>> -> memref<1x160x128xf32, #tpu.memory_space<vmem>>
      %dma_start3A_167 = tpu.memref_squeeze %dma_start3A_166 : memref<1x160x128xf32, #tpu.memory_space<vmem>> -> memref<160x128xf32, #tpu.memory_space<vmem>>
      %dma_start3A_168 = arith.constant 0 : i32
      %dma_start3A_169 = tpu.memref_slice %arg2[%mul3A_157, %dma_start3A_168] : memref<100000x128xf32, #tpu.memory_space<hbm>> -> memref<160x128xf32, #tpu.memory_space<hbm>>
      tpu.enqueue_dma source(%dma_start3A_169 : memref<160x128xf32, #tpu.memory_space<hbm>>) target(%dma_start3A_167 : memref<160x128xf32, #tpu.memory_space<vmem>>) target_semaphore(%arg15 : memref<!tpu.dma_semaphore, #tpu.memory_space<semaphore_mem>>)
    } else {
    }
    %gt3A_21 = arith.constant 1 : i32
    %gt3A_22 = arith.cmpi sgt, %add3A_9, %gt3A_21 : i32
    %convert_element_type3A_23 = arith.extui %gt3A_22 : i1 to i32
    %cond3A_24 = arith.constant 0 : i32
    %cond3A_25 = arith.cmpi ne, %convert_element_type3A_23, %cond3A_24 : i32
    scf.if %cond3A_25 {
      %add3A_154 = arith.constant 1 : i32
      %add3A_155 = arith.addi %add3A_6, %add3A_154 : i32
      %mul3A_156 = arith.constant 160 : i32
      %mul3A_157 = arith.muli %add3A_155, %mul3A_156 : i32
      %dma_start3A = arith.constant 1 : i32
      %dma_start3A_158 = arith.constant 0 : i32
      %dma_start3A_159 = arith.constant 0 : i32
      %dma_start3A_160 = tpu.memref_slice %arg9[%dma_start3A, %dma_start3A_158, %dma_start3A_159] : memref<5x160x128xf32, #tpu.memory_space<vmem>> -> memref<1x160x128xf32, #tpu.memory_space<vmem>>
      %dma_start3A_161 = tpu.memref_squeeze %dma_start3A_160 : memref<1x160x128xf32, #tpu.memory_space<vmem>> -> memref<160x128xf32, #tpu.memory_space<vmem>>
      %dma_start3A_162 = arith.constant 0 : i32
      %dma_start3A_163 = tpu.memref_slice %arg2[%mul3A_157, %dma_start3A_162] : memref<100000x128xf32, #tpu.memory_space<hbm>> -> memref<160x128xf32, #tpu.memory_space<hbm>>
      %dma_start3A_164 = arith.constant 0 : i32
      %dma_start3A_165 = arith.constant 0 : i32
      %dma_start3A_166 = tpu.memref_slice %arg9[%dma_start3A, %dma_start3A_164, %dma_start3A_165] : memref<5x160x128xf32, #tpu.memory_space<vmem>> -> memref<1x160x128xf32, #tpu.memory_space<vmem>>
      %dma_start3A_167 = tpu.memref_squeeze %dma_start3A_166 : memref<1x160x128xf32, #tpu.memory_space<vmem>> -> memref<160x128xf32, #tpu.memory_space<vmem>>
      %dma_start3A_168 = arith.constant 0 : i32
      %dma_start3A_169 = tpu.memref_slice %arg2[%mul3A_157, %dma_start3A_168] : memref<100000x128xf32, #tpu.memory_space<hbm>> -> memref<160x128xf32, #tpu.memory_space<hbm>>
      tpu.enqueue_dma source(%dma_start3A_169 : memref<160x128xf32, #tpu.memory_space<hbm>>) target(%dma_start3A_167 : memref<160x128xf32, #tpu.memory_space<vmem>>) target_semaphore(%arg16 : memref<!tpu.dma_semaphore, #tpu.memory_space<semaphore_mem>>)
    } else {
    }
    %scan3A = arith.constant 0 : i32
    %scan3A_26 = arith.constant 0 : i32
    %scan3A_27 = arith.constant 4 : i32
    %scan3A_28 = arith.addi %scan3A_26, %scan3A_27 : i32
    %scan3A_29 = arith.constant 1 : i32
    %scan3A_30 = scf.for %scan3A_154 = %scan3A_26 to %scan3A_28 step %scan3A_29 iter_args(%scan3A_155 = %scan3A) -> (i32)  : i32 {
      %mul3A_156 = arith.constant 5 : i32
      %mul3A_157 = arith.muli %mul3A_156, %scan3A_154 : i32
      %add3A_158 = arith.constant 0 : i32
      %add3A_159 = arith.addi %mul3A_157, %add3A_158 : i32
      %lt3A_160 = arith.cmpi slt, %add3A_159, %add3A_9 : i32
      %convert_element_type3A_161 = arith.extui %lt3A_160 : i1 to i32
      %cond3A_162 = arith.constant 0 : i32
      %cond3A_163 = arith.cmpi ne, %convert_element_type3A_161, %cond3A_162 : i32
      scf.if %cond3A_163 {
        %add3A_271 = arith.addi %add3A_6, %add3A_159 : i32
        %mul3A_272 = arith.constant 160 : i32
        %mul3A_273 = arith.muli %add3A_271, %mul3A_272 : i32
        %dma_wait3A = arith.constant 0 : i32
        %dma_wait3A_274 = arith.constant 0 : i32
        %dma_wait3A_275 = arith.constant 0 : i32
        %dma_wait3A_276 = tpu.memref_slice %arg9[%dma_wait3A, %dma_wait3A_274, %dma_wait3A_275] : memref<5x160x128xf32, #tpu.memory_space<vmem>> -> memref<1x160x128xf32, #tpu.memory_space<vmem>>
        %dma_wait3A_277 = tpu.memref_squeeze %dma_wait3A_276 : memref<1x160x128xf32, #tpu.memory_space<vmem>> -> memref<160x128xf32, #tpu.memory_space<vmem>>
        %dma_wait3A_278 = arith.constant 0 : i32
        %dma_wait3A_279 = tpu.memref_slice %arg2[%mul3A_273, %dma_wait3A_278] : memref<100000x128xf32, #tpu.memory_space<hbm>> -> memref<160x128xf32, #tpu.memory_space<hbm>>
        %dma_wait3A_280 = arith.constant 0 : i32
        %dma_wait3A_281 = arith.constant 0 : i32
        %dma_wait3A_282 = tpu.memref_slice %arg9[%dma_wait3A, %dma_wait3A_280, %dma_wait3A_281] : memref<5x160x128xf32, #tpu.memory_space<vmem>> -> memref<1x160x128xf32, #tpu.memory_space<vmem>>
        %dma_wait3A_283 = tpu.memref_squeeze %dma_wait3A_282 : memref<1x160x128xf32, #tpu.memory_space<vmem>> -> memref<160x128xf32, #tpu.memory_space<vmem>>
        %dma_wait3A_284 = arith.constant 0 : i32
        %dma_wait3A_285 = tpu.memref_slice %arg2[%mul3A_273, %dma_wait3A_284] : memref<100000x128xf32, #tpu.memory_space<hbm>> -> memref<160x128xf32, #tpu.memory_space<hbm>>
        tpu.wait_dma2 semaphore(%arg15 : memref<!tpu.dma_semaphore, #tpu.memory_space<semaphore_mem>>) src(%dma_wait3A_285 : memref<160x128xf32, #tpu.memory_space<hbm>>) dst(%dma_wait3A_283 : memref<160x128xf32, #tpu.memory_space<vmem>>)
        %add3A_286 = arith.addi %add3A_159, %sub3A : i32
        %dma_start3A = arith.constant 0 : i32
        %dma_start3A_287 = arith.constant 0 : i32
        %dma_start3A_288 = arith.constant 0 : i32
        %dma_start3A_289 = arith.constant 0 : i32
        %dma_start3A_290 = tpu.memref_slice %arg9[%dma_start3A, %dma_start3A_288, %dma_start3A_289] : memref<5x160x128xf32, #tpu.memory_space<vmem>> -> memref<1x80x128xf32, #tpu.memory_space<vmem>>
        %dma_start3A_291 = tpu.memref_squeeze %dma_start3A_290 : memref<1x80x128xf32, #tpu.memory_space<vmem>> -> memref<80x128xf32, #tpu.memory_space<vmem>>
        %dma_start3A_292 = arith.constant 0 : i32
        %dma_start3A_293 = tpu.memref_slice %arg10[%add3A_286, %dma_start3A_287, %dma_start3A_292] : memref<20x2x80xi32, #tpu.memory_space<vmem>> -> memref<1x1x80xi32, #tpu.memory_space<vmem>>
        %dma_start3A_294 = tpu.memref_squeeze %dma_start3A_293 : memref<1x1x80xi32, #tpu.memory_space<vmem>> -> memref<80xi32, #tpu.memory_space<vmem>>
        %dma_start3A_295 = arith.constant 0 : i32
        %dma_start3A_296 = arith.constant 0 : i32
        %dma_start3A_297 = tpu.memref_slice %arg14[%dma_start3A_295, %dma_start3A_296] : memref<512x128xf32, #tpu.memory_space<vmem_shared>> -> memref<512x128xf32, #tpu.memory_space<vmem_shared>>
        tpu.enqueue_indirect_dma source(%dma_start3A_291 : memref<80x128xf32, #tpu.memory_space<vmem>>) target(%dma_start3A_297 : memref<512x128xf32, #tpu.memory_space<vmem_shared>>) offsets(%dma_start3A_294 : memref<80xi32, #tpu.memory_space<vmem>>) semaphore(%arg20 : memref<!tpu.dma_semaphore, #tpu.memory_space<semaphore_mem>>) {add = true}
        %add3A_298 = arith.addi %add3A_159, %sub3A : i32
        %dma_start3A_299 = arith.constant 0 : i32
        %dma_start3A_300 = arith.constant 1 : i32
        %dma_start3A_301 = arith.constant 80 : i32
        %dma_start3A_302 = arith.constant 0 : i32
        %dma_start3A_303 = tpu.memref_slice %arg9[%dma_start3A_299, %dma_start3A_301, %dma_start3A_302] : memref<5x160x128xf32, #tpu.memory_space<vmem>> -> memref<1x80x128xf32, #tpu.memory_space<vmem>>
        %dma_start3A_304 = tpu.memref_squeeze %dma_start3A_303 : memref<1x80x128xf32, #tpu.memory_space<vmem>> -> memref<80x128xf32, #tpu.memory_space<vmem>>
        %dma_start3A_305 = arith.constant 0 : i32
        %dma_start3A_306 = tpu.memref_slice %arg10[%add3A_298, %dma_start3A_300, %dma_start3A_305] : memref<20x2x80xi32, #tpu.memory_space<vmem>> -> memref<1x1x80xi32, #tpu.memory_space<vmem>>
        %dma_start3A_307 = tpu.memref_squeeze %dma_start3A_306 : memref<1x1x80xi32, #tpu.memory_space<vmem>> -> memref<80xi32, #tpu.memory_space<vmem>>
        %dma_start3A_308 = arith.constant 0 : i32
        %dma_start3A_309 = arith.constant 0 : i32
        %dma_start3A_310 = tpu.memref_slice %arg14[%dma_start3A_308, %dma_start3A_309] : memref<512x128xf32, #tpu.memory_space<vmem_shared>> -> memref<512x128xf32, #tpu.memory_space<vmem_shared>>
        tpu.enqueue_indirect_dma source(%dma_start3A_304 : memref<80x128xf32, #tpu.memory_space<vmem>>) target(%dma_start3A_310 : memref<512x128xf32, #tpu.memory_space<vmem_shared>>) offsets(%dma_start3A_307 : memref<80xi32, #tpu.memory_space<vmem>>) semaphore(%arg20 : memref<!tpu.dma_semaphore, #tpu.memory_space<semaphore_mem>>) {add = true}
      } else {
      }
      %ge3A = arith.constant 3 : i32
      %ge3A_164 = arith.cmpi sge, %add3A_159, %ge3A : i32
      %sub3A_165 = arith.constant 3 : i32
      %sub3A_166 = arith.subi %add3A_159, %sub3A_165 : i32
      %lt3A_167 = arith.cmpi slt, %sub3A_166, %add3A_9 : i32
      %and3A_168 = arith.andi %ge3A_164, %lt3A_167 : i1
      %convert_element_type3A_169 = arith.extui %and3A_168 : i1 to i32
      %cond3A_170 = arith.constant 0 : i32
      %cond3A_171 = arith.cmpi ne, %convert_element_type3A_169, %cond3A_170 : i32
      scf.if %cond3A_171 {
        %sub3A_271 = arith.constant 3 : i32
        %sub3A_272 = arith.subi %add3A_159, %sub3A_271 : i32
        %add3A_273 = arith.addi %sub3A_272, %sub3A : i32
        %dma_wait3A = arith.constant 2 : i32
        %dma_wait3A_274 = arith.constant 0 : i32
        %dma_wait3A_275 = arith.constant 0 : i32
        %dma_wait3A_276 = arith.constant 0 : i32
        %dma_wait3A_277 = tpu.memref_slice %arg9[%dma_wait3A, %dma_wait3A_275, %dma_wait3A_276] : memref<5x160x128xf32, #tpu.memory_space<vmem>> -> memref<1x80x128xf32, #tpu.memory_space<vmem>>
        %dma_wait3A_278 = tpu.memref_squeeze %dma_wait3A_277 : memref<1x80x128xf32, #tpu.memory_space<vmem>> -> memref<80x128xf32, #tpu.memory_space<vmem>>
        %dma_wait3A_279 = arith.constant 0 : i32
        %dma_wait3A_280 = tpu.memref_slice %arg10[%add3A_273, %dma_wait3A_274, %dma_wait3A_279] : memref<20x2x80xi32, #tpu.memory_space<vmem>> -> memref<1x1x80xi32, #tpu.memory_space<vmem>>
        %dma_wait3A_281 = tpu.memref_squeeze %dma_wait3A_280 : memref<1x1x80xi32, #tpu.memory_space<vmem>> -> memref<80xi32, #tpu.memory_space<vmem>>
        %dma_wait3A_282 = arith.constant 0 : i32
        %dma_wait3A_283 = arith.constant 0 : i32
        %dma_wait3A_284 = tpu.memref_slice %arg14[%dma_wait3A_282, %dma_wait3A_283] : memref<512x128xf32, #tpu.memory_space<vmem_shared>> -> memref<512x128xf32, #tpu.memory_space<vmem_shared>>
        tpu.wait_indirect_dma semaphore(%arg22 : memref<!tpu.dma_semaphore, #tpu.memory_space<semaphore_mem>>) src(%dma_wait3A_278 : memref<80x128xf32, #tpu.memory_space<vmem>>) dst(%dma_wait3A_284 : memref<512x128xf32, #tpu.memory_space<vmem_shared>>)
        %sub3A_285 = arith.constant 3 : i32
        %sub3A_286 = arith.subi %add3A_159, %sub3A_285 : i32
        %add3A_287 = arith.addi %sub3A_286, %sub3A : i32
        %dma_wait3A_288 = arith.constant 2 : i32
        %dma_wait3A_289 = arith.constant 1 : i32
        %dma_wait3A_290 = arith.constant 80 : i32
        %dma_wait3A_291 = arith.constant 0 : i32
        %dma_wait3A_292 = tpu.memref_slice %arg9[%dma_wait3A_288, %dma_wait3A_290, %dma_wait3A_291] : memref<5x160x128xf32, #tpu.memory_space<vmem>> -> memref<1x80x128xf32, #tpu.memory_space<vmem>>
        %dma_wait3A_293 = tpu.memref_squeeze %dma_wait3A_292 : memref<1x80x128xf32, #tpu.memory_space<vmem>> -> memref<80x128xf32, #tpu.memory_space<vmem>>
        %dma_wait3A_294 = arith.constant 0 : i32
        %dma_wait3A_295 = tpu.memref_slice %arg10[%add3A_287, %dma_wait3A_289, %dma_wait3A_294] : memref<20x2x80xi32, #tpu.memory_space<vmem>> -> memref<1x1x80xi32, #tpu.memory_space<vmem>>
        %dma_wait3A_296 = tpu.memref_squeeze %dma_wait3A_295 : memref<1x1x80xi32, #tpu.memory_space<vmem>> -> memref<80xi32, #tpu.memory_space<vmem>>
        %dma_wait3A_297 = arith.constant 0 : i32
        %dma_wait3A_298 = arith.constant 0 : i32
        %dma_wait3A_299 = tpu.memref_slice %arg14[%dma_wait3A_297, %dma_wait3A_298] : memref<512x128xf32, #tpu.memory_space<vmem_shared>> -> memref<512x128xf32, #tpu.memory_space<vmem_shared>>
        tpu.wait_indirect_dma semaphore(%arg22 : memref<!tpu.dma_semaphore, #tpu.memory_space<semaphore_mem>>) src(%dma_wait3A_293 : memref<80x128xf32, #tpu.memory_space<vmem>>) dst(%dma_wait3A_299 : memref<512x128xf32, #tpu.memory_space<vmem_shared>>)
      } else {
      }
      %add3A_172 = arith.constant 2 : i32
      %add3A_173 = arith.addi %add3A_159, %add3A_172 : i32
      %lt3A_174 = arith.cmpi slt, %add3A_173, %add3A_9 : i32
      %convert_element_type3A_175 = arith.extui %lt3A_174 : i1 to i32
      %cond3A_176 = arith.constant 0 : i32
      %cond3A_177 = arith.cmpi ne, %convert_element_type3A_175, %cond3A_176 : i32
      scf.if %cond3A_177 {
        %add3A_271 = arith.constant 2 : i32
        %add3A_272 = arith.addi %add3A_159, %add3A_271 : i32
        %add3A_273 = arith.addi %add3A_6, %add3A_272 : i32
        %mul3A_274 = arith.constant 160 : i32
        %mul3A_275 = arith.muli %add3A_273, %mul3A_274 : i32
        %dma_start3A = arith.constant 2 : i32
        %dma_start3A_276 = arith.constant 0 : i32
        %dma_start3A_277 = arith.constant 0 : i32
        %dma_start3A_278 = tpu.memref_slice %arg9[%dma_start3A, %dma_start3A_276, %dma_start3A_277] : memref<5x160x128xf32, #tpu.memory_space<vmem>> -> memref<1x160x128xf32, #tpu.memory_space<vmem>>
        %dma_start3A_279 = tpu.memref_squeeze %dma_start3A_278 : memref<1x160x128xf32, #tpu.memory_space<vmem>> -> memref<160x128xf32, #tpu.memory_space<vmem>>
        %dma_start3A_280 = arith.constant 0 : i32
        %dma_start3A_281 = tpu.memref_slice %arg2[%mul3A_275, %dma_start3A_280] : memref<100000x128xf32, #tpu.memory_space<hbm>> -> memref<160x128xf32, #tpu.memory_space<hbm>>
        %dma_start3A_282 = arith.constant 0 : i32
        %dma_start3A_283 = arith.constant 0 : i32
        %dma_start3A_284 = tpu.memref_slice %arg9[%dma_start3A, %dma_start3A_282, %dma_start3A_283] : memref<5x160x128xf32, #tpu.memory_space<vmem>> -> memref<1x160x128xf32, #tpu.memory_space<vmem>>
        %dma_start3A_285 = tpu.memref_squeeze %dma_start3A_284 : memref<1x160x128xf32, #tpu.memory_space<vmem>> -> memref<160x128xf32, #tpu.memory_space<vmem>>
        %dma_start3A_286 = arith.constant 0 : i32
        %dma_start3A_287 = tpu.memref_slice %arg2[%mul3A_275, %dma_start3A_286] : memref<100000x128xf32, #tpu.memory_space<hbm>> -> memref<160x128xf32, #tpu.memory_space<hbm>>
        tpu.enqueue_dma source(%dma_start3A_287 : memref<160x128xf32, #tpu.memory_space<hbm>>) target(%dma_start3A_285 : memref<160x128xf32, #tpu.memory_space<vmem>>) target_semaphore(%arg17 : memref<!tpu.dma_semaphore, #tpu.memory_space<semaphore_mem>>)
      } else {
      }
      %mul3A_178 = arith.constant 5 : i32
      %mul3A_179 = arith.muli %mul3A_178, %scan3A_154 : i32
      %add3A_180 = arith.constant 1 : i32
      %add3A_181 = arith.addi %mul3A_179, %add3A_180 : i32
      %lt3A_182 = arith.cmpi slt, %add3A_181, %add3A_9 : i32
      %convert_element_type3A_183 = arith.extui %lt3A_182 : i1 to i32
      %cond3A_184 = arith.constant 0 : i32
      %cond3A_185 = arith.cmpi ne, %convert_element_type3A_183, %cond3A_184 : i32
      scf.if %cond3A_185 {
        %add3A_271 = arith.addi %add3A_6, %add3A_181 : i32
        %mul3A_272 = arith.constant 160 : i32
        %mul3A_273 = arith.muli %add3A_271, %mul3A_272 : i32
        %dma_wait3A = arith.constant 1 : i32
        %dma_wait3A_274 = arith.constant 0 : i32
        %dma_wait3A_275 = arith.constant 0 : i32
        %dma_wait3A_276 = tpu.memref_slice %arg9[%dma_wait3A, %dma_wait3A_274, %dma_wait3A_275] : memref<5x160x128xf32, #tpu.memory_space<vmem>> -> memref<1x160x128xf32, #tpu.memory_space<vmem>>
        %dma_wait3A_277 = tpu.memref_squeeze %dma_wait3A_276 : memref<1x160x128xf32, #tpu.memory_space<vmem>> -> memref<160x128xf32, #tpu.memory_space<vmem>>
        %dma_wait3A_278 = arith.constant 0 : i32
        %dma_wait3A_279 = tpu.memref_slice %arg2[%mul3A_273, %dma_wait3A_278] : memref<100000x128xf32, #tpu.memory_space<hbm>> -> memref<160x128xf32, #tpu.memory_space<hbm>>
        %dma_wait3A_280 = arith.constant 0 : i32
        %dma_wait3A_281 = arith.constant 0 : i32
        %dma_wait3A_282 = tpu.memref_slice %arg9[%dma_wait3A, %dma_wait3A_280, %dma_wait3A_281] : memref<5x160x128xf32, #tpu.memory_space<vmem>> -> memref<1x160x128xf32, #tpu.memory_space<vmem>>
        %dma_wait3A_283 = tpu.memref_squeeze %dma_wait3A_282 : memref<1x160x128xf32, #tpu.memory_space<vmem>> -> memref<160x128xf32, #tpu.memory_space<vmem>>
        %dma_wait3A_284 = arith.constant 0 : i32
        %dma_wait3A_285 = tpu.memref_slice %arg2[%mul3A_273, %dma_wait3A_284] : memref<100000x128xf32, #tpu.memory_space<hbm>> -> memref<160x128xf32, #tpu.memory_space<hbm>>
        tpu.wait_dma2 semaphore(%arg16 : memref<!tpu.dma_semaphore, #tpu.memory_space<semaphore_mem>>) src(%dma_wait3A_285 : memref<160x128xf32, #tpu.memory_space<hbm>>) dst(%dma_wait3A_283 : memref<160x128xf32, #tpu.memory_space<vmem>>)
        %add3A_286 = arith.addi %add3A_181, %sub3A : i32
        %dma_start3A = arith.constant 1 : i32
        %dma_start3A_287 = arith.constant 0 : i32
        %dma_start3A_288 = arith.constant 0 : i32
        %dma_start3A_289 = arith.constant 0 : i32
        %dma_start3A_290 = tpu.memref_slice %arg9[%dma_start3A, %dma_start3A_288, %dma_start3A_289] : memref<5x160x128xf32, #tpu.memory_space<vmem>> -> memref<1x80x128xf32, #tpu.memory_space<vmem>>
        %dma_start3A_291 = tpu.memref_squeeze %dma_start3A_290 : memref<1x80x128xf32, #tpu.memory_space<vmem>> -> memref<80x128xf32, #tpu.memory_space<vmem>>
        %dma_start3A_292 = arith.constant 0 : i32
        %dma_start3A_293 = tpu.memref_slice %arg10[%add3A_286, %dma_start3A_287, %dma_start3A_292] : memref<20x2x80xi32, #tpu.memory_space<vmem>> -> memref<1x1x80xi32, #tpu.memory_space<vmem>>
        %dma_start3A_294 = tpu.memref_squeeze %dma_start3A_293 : memref<1x1x80xi32, #tpu.memory_space<vmem>> -> memref<80xi32, #tpu.memory_space<vmem>>
        %dma_start3A_295 = arith.constant 0 : i32
        %dma_start3A_296 = arith.constant 0 : i32
        %dma_start3A_297 = tpu.memref_slice %arg14[%dma_start3A_295, %dma_start3A_296] : memref<512x128xf32, #tpu.memory_space<vmem_shared>> -> memref<512x128xf32, #tpu.memory_space<vmem_shared>>
        tpu.enqueue_indirect_dma source(%dma_start3A_291 : memref<80x128xf32, #tpu.memory_space<vmem>>) target(%dma_start3A_297 : memref<512x128xf32, #tpu.memory_space<vmem_shared>>) offsets(%dma_start3A_294 : memref<80xi32, #tpu.memory_space<vmem>>) semaphore(%arg21 : memref<!tpu.dma_semaphore, #tpu.memory_space<semaphore_mem>>) {add = true}
        %add3A_298 = arith.addi %add3A_181, %sub3A : i32
        %dma_start3A_299 = arith.constant 1 : i32
        %dma_start3A_300 = arith.constant 1 : i32
        %dma_start3A_301 = arith.constant 80 : i32
        %dma_start3A_302 = arith.constant 0 : i32
        %dma_start3A_303 = tpu.memref_slice %arg9[%dma_start3A_299, %dma_start3A_301, %dma_start3A_302] : memref<5x160x128xf32, #tpu.memory_space<vmem>> -> memref<1x80x128xf32, #tpu.memory_space<vmem>>
        %dma_start3A_304 = tpu.memref_squeeze %dma_start3A_303 : memref<1x80x128xf32, #tpu.memory_space<vmem>> -> memref<80x128xf32, #tpu.memory_space<vmem>>
        %dma_start3A_305 = arith.constant 0 : i32
        %dma_start3A_306 = tpu.memref_slice %arg10[%add3A_298, %dma_start3A_300, %dma_start3A_305] : memref<20x2x80xi32, #tpu.memory_space<vmem>> -> memref<1x1x80xi32, #tpu.memory_space<vmem>>
        %dma_start3A_307 = tpu.memref_squeeze %dma_start3A_306 : memref<1x1x80xi32, #tpu.memory_space<vmem>> -> memref<80xi32, #tpu.memory_space<vmem>>
        %dma_start3A_308 = arith.constant 0 : i32
        %dma_start3A_309 = arith.constant 0 : i32
        %dma_start3A_310 = tpu.memref_slice %arg14[%dma_start3A_308, %dma_start3A_309] : memref<512x128xf32, #tpu.memory_space<vmem_shared>> -> memref<512x128xf32, #tpu.memory_space<vmem_shared>>
        tpu.enqueue_indirect_dma source(%dma_start3A_304 : memref<80x128xf32, #tpu.memory_space<vmem>>) target(%dma_start3A_310 : memref<512x128xf32, #tpu.memory_space<vmem_shared>>) offsets(%dma_start3A_307 : memref<80xi32, #tpu.memory_space<vmem>>) semaphore(%arg21 : memref<!tpu.dma_semaphore, #tpu.memory_space<semaphore_mem>>) {add = true}
      } else {
      }
      %ge3A_186 = arith.constant 3 : i32
      %ge3A_187 = arith.cmpi sge, %add3A_181, %ge3A_186 : i32
      %sub3A_188 = arith.constant 3 : i32
      %sub3A_189 = arith.subi %add3A_181, %sub3A_188 : i32
      %lt3A_190 = arith.cmpi slt, %sub3A_189, %add3A_9 : i32
      %and3A_191 = arith.andi %ge3A_187, %lt3A_190 : i1
      %convert_element_type3A_192 = arith.extui %and3A_191 : i1 to i32
      %cond3A_193 = arith.constant 0 : i32
      %cond3A_194 = arith.cmpi ne, %convert_element_type3A_192, %cond3A_193 : i32
      scf.if %cond3A_194 {
        %sub3A_271 = arith.constant 3 : i32
        %sub3A_272 = arith.subi %add3A_181, %sub3A_271 : i32
        %add3A_273 = arith.addi %sub3A_272, %sub3A : i32
        %dma_wait3A = arith.constant 3 : i32
        %dma_wait3A_274 = arith.constant 0 : i32
        %dma_wait3A_275 = arith.constant 0 : i32
        %dma_wait3A_276 = arith.constant 0 : i32
        %dma_wait3A_277 = tpu.memref_slice %arg9[%dma_wait3A, %dma_wait3A_275, %dma_wait3A_276] : memref<5x160x128xf32, #tpu.memory_space<vmem>> -> memref<1x80x128xf32, #tpu.memory_space<vmem>>
        %dma_wait3A_278 = tpu.memref_squeeze %dma_wait3A_277 : memref<1x80x128xf32, #tpu.memory_space<vmem>> -> memref<80x128xf32, #tpu.memory_space<vmem>>
        %dma_wait3A_279 = arith.constant 0 : i32
        %dma_wait3A_280 = tpu.memref_slice %arg10[%add3A_273, %dma_wait3A_274, %dma_wait3A_279] : memref<20x2x80xi32, #tpu.memory_space<vmem>> -> memref<1x1x80xi32, #tpu.memory_space<vmem>>
        %dma_wait3A_281 = tpu.memref_squeeze %dma_wait3A_280 : memref<1x1x80xi32, #tpu.memory_space<vmem>> -> memref<80xi32, #tpu.memory_space<vmem>>
        %dma_wait3A_282 = arith.constant 0 : i32
        %dma_wait3A_283 = arith.constant 0 : i32
        %dma_wait3A_284 = tpu.memref_slice %arg14[%dma_wait3A_282, %dma_wait3A_283] : memref<512x128xf32, #tpu.memory_space<vmem_shared>> -> memref<512x128xf32, #tpu.memory_space<vmem_shared>>
        tpu.wait_indirect_dma semaphore(%arg23 : memref<!tpu.dma_semaphore, #tpu.memory_space<semaphore_mem>>) src(%dma_wait3A_278 : memref<80x128xf32, #tpu.memory_space<vmem>>) dst(%dma_wait3A_284 : memref<512x128xf32, #tpu.memory_space<vmem_shared>>)
        %sub3A_285 = arith.constant 3 : i32
        %sub3A_286 = arith.subi %add3A_181, %sub3A_285 : i32
        %add3A_287 = arith.addi %sub3A_286, %sub3A : i32
        %dma_wait3A_288 = arith.constant 3 : i32
        %dma_wait3A_289 = arith.constant 1 : i32
        %dma_wait3A_290 = arith.constant 80 : i32
        %dma_wait3A_291 = arith.constant 0 : i32
        %dma_wait3A_292 = tpu.memref_slice %arg9[%dma_wait3A_288, %dma_wait3A_290, %dma_wait3A_291] : memref<5x160x128xf32, #tpu.memory_space<vmem>> -> memref<1x80x128xf32, #tpu.memory_space<vmem>>
        %dma_wait3A_293 = tpu.memref_squeeze %dma_wait3A_292 : memref<1x80x128xf32, #tpu.memory_space<vmem>> -> memref<80x128xf32, #tpu.memory_space<vmem>>
        %dma_wait3A_294 = arith.constant 0 : i32
        %dma_wait3A_295 = tpu.memref_slice %arg10[%add3A_287, %dma_wait3A_289, %dma_wait3A_294] : memref<20x2x80xi32, #tpu.memory_space<vmem>> -> memref<1x1x80xi32, #tpu.memory_space<vmem>>
        %dma_wait3A_296 = tpu.memref_squeeze %dma_wait3A_295 : memref<1x1x80xi32, #tpu.memory_space<vmem>> -> memref<80xi32, #tpu.memory_space<vmem>>
        %dma_wait3A_297 = arith.constant 0 : i32
        %dma_wait3A_298 = arith.constant 0 : i32
        %dma_wait3A_299 = tpu.memref_slice %arg14[%dma_wait3A_297, %dma_wait3A_298] : memref<512x128xf32, #tpu.memory_space<vmem_shared>> -> memref<512x128xf32, #tpu.memory_space<vmem_shared>>
        tpu.wait_indirect_dma semaphore(%arg23 : memref<!tpu.dma_semaphore, #tpu.memory_space<semaphore_mem>>) src(%dma_wait3A_293 : memref<80x128xf32, #tpu.memory_space<vmem>>) dst(%dma_wait3A_299 : memref<512x128xf32, #tpu.memory_space<vmem_shared>>)
      } else {
      }
      %add3A_195 = arith.constant 2 : i32
      %add3A_196 = arith.addi %add3A_181, %add3A_195 : i32
      %lt3A_197 = arith.cmpi slt, %add3A_196, %add3A_9 : i32
      %convert_element_type3A_198 = arith.extui %lt3A_197 : i1 to i32
      %cond3A_199 = arith.constant 0 : i32
      %cond3A_200 = arith.cmpi ne, %convert_element_type3A_198, %cond3A_199 : i32
      scf.if %cond3A_200 {
        %add3A_271 = arith.constant 2 : i32
        %add3A_272 = arith.addi %add3A_181, %add3A_271 : i32
        %add3A_273 = arith.addi %add3A_6, %add3A_272 : i32
        %mul3A_274 = arith.constant 160 : i32
        %mul3A_275 = arith.muli %add3A_273, %mul3A_274 : i32
        %dma_start3A = arith.constant 3 : i32
        %dma_start3A_276 = arith.constant 0 : i32
        %dma_start3A_277 = arith.constant 0 : i32
        %dma_start3A_278 = tpu.memref_slice %arg9[%dma_start3A, %dma_start3A_276, %dma_start3A_277] : memref<5x160x128xf32, #tpu.memory_space<vmem>> -> memref<1x160x128xf32, #tpu.memory_space<vmem>>
        %dma_start3A_279 = tpu.memref_squeeze %dma_start3A_278 : memref<1x160x128xf32, #tpu.memory_space<vmem>> -> memref<160x128xf32, #tpu.memory_space<vmem>>
        %dma_start3A_280 = arith.constant 0 : i32
        %dma_start3A_281 = tpu.memref_slice %arg2[%mul3A_275, %dma_start3A_280] : memref<100000x128xf32, #tpu.memory_space<hbm>> -> memref<160x128xf32, #tpu.memory_space<hbm>>
        %dma_start3A_282 = arith.constant 0 : i32
        %dma_start3A_283 = arith.constant 0 : i32
        %dma_start3A_284 = tpu.memref_slice %arg9[%dma_start3A, %dma_start3A_282, %dma_start3A_283] : memref<5x160x128xf32, #tpu.memory_space<vmem>> -> memref<1x160x128xf32, #tpu.memory_space<vmem>>
        %dma_start3A_285 = tpu.memref_squeeze %dma_start3A_284 : memref<1x160x128xf32, #tpu.memory_space<vmem>> -> memref<160x128xf32, #tpu.memory_space<vmem>>
        %dma_start3A_286 = arith.constant 0 : i32
        %dma_start3A_287 = tpu.memref_slice %arg2[%mul3A_275, %dma_start3A_286] : memref<100000x128xf32, #tpu.memory_space<hbm>> -> memref<160x128xf32, #tpu.memory_space<hbm>>
        tpu.enqueue_dma source(%dma_start3A_287 : memref<160x128xf32, #tpu.memory_space<hbm>>) target(%dma_start3A_285 : memref<160x128xf32, #tpu.memory_space<vmem>>) target_semaphore(%arg18 : memref<!tpu.dma_semaphore, #tpu.memory_space<semaphore_mem>>)
      } else {
      }
      %mul3A_201 = arith.constant 5 : i32
      %mul3A_202 = arith.muli %mul3A_201, %scan3A_154 : i32
      %add3A_203 = arith.constant 2 : i32
      %add3A_204 = arith.addi %mul3A_202, %add3A_203 : i32
      %lt3A_205 = arith.cmpi slt, %add3A_204, %add3A_9 : i32
      %convert_element_type3A_206 = arith.extui %lt3A_205 : i1 to i32
      %cond3A_207 = arith.constant 0 : i32
      %cond3A_208 = arith.cmpi ne, %convert_element_type3A_206, %cond3A_207 : i32
      scf.if %cond3A_208 {
        %add3A_271 = arith.addi %add3A_6, %add3A_204 : i32
        %mul3A_272 = arith.constant 160 : i32
        %mul3A_273 = arith.muli %add3A_271, %mul3A_272 : i32
        %dma_wait3A = arith.constant 2 : i32
        %dma_wait3A_274 = arith.constant 0 : i32
        %dma_wait3A_275 = arith.constant 0 : i32
        %dma_wait3A_276 = tpu.memref_slice %arg9[%dma_wait3A, %dma_wait3A_274, %dma_wait3A_275] : memref<5x160x128xf32, #tpu.memory_space<vmem>> -> memref<1x160x128xf32, #tpu.memory_space<vmem>>
        %dma_wait3A_277 = tpu.memref_squeeze %dma_wait3A_276 : memref<1x160x128xf32, #tpu.memory_space<vmem>> -> memref<160x128xf32, #tpu.memory_space<vmem>>
        %dma_wait3A_278 = arith.constant 0 : i32
        %dma_wait3A_279 = tpu.memref_slice %arg2[%mul3A_273, %dma_wait3A_278] : memref<100000x128xf32, #tpu.memory_space<hbm>> -> memref<160x128xf32, #tpu.memory_space<hbm>>
        %dma_wait3A_280 = arith.constant 0 : i32
        %dma_wait3A_281 = arith.constant 0 : i32
        %dma_wait3A_282 = tpu.memref_slice %arg9[%dma_wait3A, %dma_wait3A_280, %dma_wait3A_281] : memref<5x160x128xf32, #tpu.memory_space<vmem>> -> memref<1x160x128xf32, #tpu.memory_space<vmem>>
        %dma_wait3A_283 = tpu.memref_squeeze %dma_wait3A_282 : memref<1x160x128xf32, #tpu.memory_space<vmem>> -> memref<160x128xf32, #tpu.memory_space<vmem>>
        %dma_wait3A_284 = arith.constant 0 : i32
        %dma_wait3A_285 = tpu.memref_slice %arg2[%mul3A_273, %dma_wait3A_284] : memref<100000x128xf32, #tpu.memory_space<hbm>> -> memref<160x128xf32, #tpu.memory_space<hbm>>
        tpu.wait_dma2 semaphore(%arg17 : memref<!tpu.dma_semaphore, #tpu.memory_space<semaphore_mem>>) src(%dma_wait3A_285 : memref<160x128xf32, #tpu.memory_space<hbm>>) dst(%dma_wait3A_283 : memref<160x128xf32, #tpu.memory_space<vmem>>)
        %add3A_286 = arith.addi %add3A_204, %sub3A : i32
        %dma_start3A = arith.constant 2 : i32
        %dma_start3A_287 = arith.constant 0 : i32
        %dma_start3A_288 = arith.constant 0 : i32
        %dma_start3A_289 = arith.constant 0 : i32
        %dma_start3A_290 = tpu.memref_slice %arg9[%dma_start3A, %dma_start3A_288, %dma_start3A_289] : memref<5x160x128xf32, #tpu.memory_space<vmem>> -> memref<1x80x128xf32, #tpu.memory_space<vmem>>
        %dma_start3A_291 = tpu.memref_squeeze %dma_start3A_290 : memref<1x80x128xf32, #tpu.memory_space<vmem>> -> memref<80x128xf32, #tpu.memory_space<vmem>>
        %dma_start3A_292 = arith.constant 0 : i32
        %dma_start3A_293 = tpu.memref_slice %arg10[%add3A_286, %dma_start3A_287, %dma_start3A_292] : memref<20x2x80xi32, #tpu.memory_space<vmem>> -> memref<1x1x80xi32, #tpu.memory_space<vmem>>
        %dma_start3A_294 = tpu.memref_squeeze %dma_start3A_293 : memref<1x1x80xi32, #tpu.memory_space<vmem>> -> memref<80xi32, #tpu.memory_space<vmem>>
        %dma_start3A_295 = arith.constant 0 : i32
        %dma_start3A_296 = arith.constant 0 : i32
        %dma_start3A_297 = tpu.memref_slice %arg14[%dma_start3A_295, %dma_start3A_296] : memref<512x128xf32, #tpu.memory_space<vmem_shared>> -> memref<512x128xf32, #tpu.memory_space<vmem_shared>>
        tpu.enqueue_indirect_dma source(%dma_start3A_291 : memref<80x128xf32, #tpu.memory_space<vmem>>) target(%dma_start3A_297 : memref<512x128xf32, #tpu.memory_space<vmem_shared>>) offsets(%dma_start3A_294 : memref<80xi32, #tpu.memory_space<vmem>>) semaphore(%arg22 : memref<!tpu.dma_semaphore, #tpu.memory_space<semaphore_mem>>) {add = true}
        %add3A_298 = arith.addi %add3A_204, %sub3A : i32
        %dma_start3A_299 = arith.constant 2 : i32
        %dma_start3A_300 = arith.constant 1 : i32
        %dma_start3A_301 = arith.constant 80 : i32
        %dma_start3A_302 = arith.constant 0 : i32
        %dma_start3A_303 = tpu.memref_slice %arg9[%dma_start3A_299, %dma_start3A_301, %dma_start3A_302] : memref<5x160x128xf32, #tpu.memory_space<vmem>> -> memref<1x80x128xf32, #tpu.memory_space<vmem>>
        %dma_start3A_304 = tpu.memref_squeeze %dma_start3A_303 : memref<1x80x128xf32, #tpu.memory_space<vmem>> -> memref<80x128xf32, #tpu.memory_space<vmem>>
        %dma_start3A_305 = arith.constant 0 : i32
        %dma_start3A_306 = tpu.memref_slice %arg10[%add3A_298, %dma_start3A_300, %dma_start3A_305] : memref<20x2x80xi32, #tpu.memory_space<vmem>> -> memref<1x1x80xi32, #tpu.memory_space<vmem>>
        %dma_start3A_307 = tpu.memref_squeeze %dma_start3A_306 : memref<1x1x80xi32, #tpu.memory_space<vmem>> -> memref<80xi32, #tpu.memory_space<vmem>>
        %dma_start3A_308 = arith.constant 0 : i32
        %dma_start3A_309 = arith.constant 0 : i32
        %dma_start3A_310 = tpu.memref_slice %arg14[%dma_start3A_308, %dma_start3A_309] : memref<512x128xf32, #tpu.memory_space<vmem_shared>> -> memref<512x128xf32, #tpu.memory_space<vmem_shared>>
        tpu.enqueue_indirect_dma source(%dma_start3A_304 : memref<80x128xf32, #tpu.memory_space<vmem>>) target(%dma_start3A_310 : memref<512x128xf32, #tpu.memory_space<vmem_shared>>) offsets(%dma_start3A_307 : memref<80xi32, #tpu.memory_space<vmem>>) semaphore(%arg22 : memref<!tpu.dma_semaphore, #tpu.memory_space<semaphore_mem>>) {add = true}
      } else {
      }
      %ge3A_209 = arith.constant 3 : i32
      %ge3A_210 = arith.cmpi sge, %add3A_204, %ge3A_209 : i32
      %sub3A_211 = arith.constant 3 : i32
      %sub3A_212 = arith.subi %add3A_204, %sub3A_211 : i32
      %lt3A_213 = arith.cmpi slt, %sub3A_212, %add3A_9 : i32
      %and3A_214 = arith.andi %ge3A_210, %lt3A_213 : i1
      %convert_element_type3A_215 = arith.extui %and3A_214 : i1 to i32
      %cond3A_216 = arith.constant 0 : i32
      %cond3A_217 = arith.cmpi ne, %convert_element_type3A_215, %cond3A_216 : i32
      scf.if %cond3A_217 {
        %sub3A_271 = arith.constant 3 : i32
        %sub3A_272 = arith.subi %add3A_204, %sub3A_271 : i32
        %add3A_273 = arith.addi %sub3A_272, %sub3A : i32
        %dma_wait3A = arith.constant 4 : i32
        %dma_wait3A_274 = arith.constant 0 : i32
        %dma_wait3A_275 = arith.constant 0 : i32
        %dma_wait3A_276 = arith.constant 0 : i32
        %dma_wait3A_277 = tpu.memref_slice %arg9[%dma_wait3A, %dma_wait3A_275, %dma_wait3A_276] : memref<5x160x128xf32, #tpu.memory_space<vmem>> -> memref<1x80x128xf32, #tpu.memory_space<vmem>>
        %dma_wait3A_278 = tpu.memref_squeeze %dma_wait3A_277 : memref<1x80x128xf32, #tpu.memory_space<vmem>> -> memref<80x128xf32, #tpu.memory_space<vmem>>
        %dma_wait3A_279 = arith.constant 0 : i32
        %dma_wait3A_280 = tpu.memref_slice %arg10[%add3A_273, %dma_wait3A_274, %dma_wait3A_279] : memref<20x2x80xi32, #tpu.memory_space<vmem>> -> memref<1x1x80xi32, #tpu.memory_space<vmem>>
        %dma_wait3A_281 = tpu.memref_squeeze %dma_wait3A_280 : memref<1x1x80xi32, #tpu.memory_space<vmem>> -> memref<80xi32, #tpu.memory_space<vmem>>
        %dma_wait3A_282 = arith.constant 0 : i32
        %dma_wait3A_283 = arith.constant 0 : i32
        %dma_wait3A_284 = tpu.memref_slice %arg14[%dma_wait3A_282, %dma_wait3A_283] : memref<512x128xf32, #tpu.memory_space<vmem_shared>> -> memref<512x128xf32, #tpu.memory_space<vmem_shared>>
        tpu.wait_indirect_dma semaphore(%arg24 : memref<!tpu.dma_semaphore, #tpu.memory_space<semaphore_mem>>) src(%dma_wait3A_278 : memref<80x128xf32, #tpu.memory_space<vmem>>) dst(%dma_wait3A_284 : memref<512x128xf32, #tpu.memory_space<vmem_shared>>)
        %sub3A_285 = arith.constant 3 : i32
        %sub3A_286 = arith.subi %add3A_204, %sub3A_285 : i32
        %add3A_287 = arith.addi %sub3A_286, %sub3A : i32
        %dma_wait3A_288 = arith.constant 4 : i32
        %dma_wait3A_289 = arith.constant 1 : i32
        %dma_wait3A_290 = arith.constant 80 : i32
        %dma_wait3A_291 = arith.constant 0 : i32
        %dma_wait3A_292 = tpu.memref_slice %arg9[%dma_wait3A_288, %dma_wait3A_290, %dma_wait3A_291] : memref<5x160x128xf32, #tpu.memory_space<vmem>> -> memref<1x80x128xf32, #tpu.memory_space<vmem>>
        %dma_wait3A_293 = tpu.memref_squeeze %dma_wait3A_292 : memref<1x80x128xf32, #tpu.memory_space<vmem>> -> memref<80x128xf32, #tpu.memory_space<vmem>>
        %dma_wait3A_294 = arith.constant 0 : i32
        %dma_wait3A_295 = tpu.memref_slice %arg10[%add3A_287, %dma_wait3A_289, %dma_wait3A_294] : memref<20x2x80xi32, #tpu.memory_space<vmem>> -> memref<1x1x80xi32, #tpu.memory_space<vmem>>
        %dma_wait3A_296 = tpu.memref_squeeze %dma_wait3A_295 : memref<1x1x80xi32, #tpu.memory_space<vmem>> -> memref<80xi32, #tpu.memory_space<vmem>>
        %dma_wait3A_297 = arith.constant 0 : i32
        %dma_wait3A_298 = arith.constant 0 : i32
        %dma_wait3A_299 = tpu.memref_slice %arg14[%dma_wait3A_297, %dma_wait3A_298] : memref<512x128xf32, #tpu.memory_space<vmem_shared>> -> memref<512x128xf32, #tpu.memory_space<vmem_shared>>
        tpu.wait_indirect_dma semaphore(%arg24 : memref<!tpu.dma_semaphore, #tpu.memory_space<semaphore_mem>>) src(%dma_wait3A_293 : memref<80x128xf32, #tpu.memory_space<vmem>>) dst(%dma_wait3A_299 : memref<512x128xf32, #tpu.memory_space<vmem_shared>>)
      } else {
      }
      %add3A_218 = arith.constant 2 : i32
      %add3A_219 = arith.addi %add3A_204, %add3A_218 : i32
      %lt3A_220 = arith.cmpi slt, %add3A_219, %add3A_9 : i32
      %convert_element_type3A_221 = arith.extui %lt3A_220 : i1 to i32
      %cond3A_222 = arith.constant 0 : i32
      %cond3A_223 = arith.cmpi ne, %convert_element_type3A_221, %cond3A_222 : i32
      scf.if %cond3A_223 {
        %add3A_271 = arith.constant 2 : i32
        %add3A_272 = arith.addi %add3A_204, %add3A_271 : i32
        %add3A_273 = arith.addi %add3A_6, %add3A_272 : i32
        %mul3A_274 = arith.constant 160 : i32
        %mul3A_275 = arith.muli %add3A_273, %mul3A_274 : i32
        %dma_start3A = arith.constant 4 : i32
        %dma_start3A_276 = arith.constant 0 : i32
        %dma_start3A_277 = arith.constant 0 : i32
        %dma_start3A_278 = tpu.memref_slice %arg9[%dma_start3A, %dma_start3A_276, %dma_start3A_277] : memref<5x160x128xf32, #tpu.memory_space<vmem>> -> memref<1x160x128xf32, #tpu.memory_space<vmem>>
        %dma_start3A_279 = tpu.memref_squeeze %dma_start3A_278 : memref<1x160x128xf32, #tpu.memory_space<vmem>> -> memref<160x128xf32, #tpu.memory_space<vmem>>
        %dma_start3A_280 = arith.constant 0 : i32
        %dma_start3A_281 = tpu.memref_slice %arg2[%mul3A_275, %dma_start3A_280] : memref<100000x128xf32, #tpu.memory_space<hbm>> -> memref<160x128xf32, #tpu.memory_space<hbm>>
        %dma_start3A_282 = arith.constant 0 : i32
        %dma_start3A_283 = arith.constant 0 : i32
        %dma_start3A_284 = tpu.memref_slice %arg9[%dma_start3A, %dma_start3A_282, %dma_start3A_283] : memref<5x160x128xf32, #tpu.memory_space<vmem>> -> memref<1x160x128xf32, #tpu.memory_space<vmem>>
        %dma_start3A_285 = tpu.memref_squeeze %dma_start3A_284 : memref<1x160x128xf32, #tpu.memory_space<vmem>> -> memref<160x128xf32, #tpu.memory_space<vmem>>
        %dma_start3A_286 = arith.constant 0 : i32
        %dma_start3A_287 = tpu.memref_slice %arg2[%mul3A_275, %dma_start3A_286] : memref<100000x128xf32, #tpu.memory_space<hbm>> -> memref<160x128xf32, #tpu.memory_space<hbm>>
        tpu.enqueue_dma source(%dma_start3A_287 : memref<160x128xf32, #tpu.memory_space<hbm>>) target(%dma_start3A_285 : memref<160x128xf32, #tpu.memory_space<vmem>>) target_semaphore(%arg19 : memref<!tpu.dma_semaphore, #tpu.memory_space<semaphore_mem>>)
      } else {
      }
      %mul3A_224 = arith.constant 5 : i32
      %mul3A_225 = arith.muli %mul3A_224, %scan3A_154 : i32
      %add3A_226 = arith.constant 3 : i32
      %add3A_227 = arith.addi %mul3A_225, %add3A_226 : i32
      %lt3A_228 = arith.cmpi slt, %add3A_227, %add3A_9 : i32
      %convert_element_type3A_229 = arith.extui %lt3A_228 : i1 to i32
      %cond3A_230 = arith.constant 0 : i32
      %cond3A_231 = arith.cmpi ne, %convert_element_type3A_229, %cond3A_230 : i32
      scf.if %cond3A_231 {
        %add3A_271 = arith.addi %add3A_6, %add3A_227 : i32
        %mul3A_272 = arith.constant 160 : i32
        %mul3A_273 = arith.muli %add3A_271, %mul3A_272 : i32
        %dma_wait3A = arith.constant 3 : i32
        %dma_wait3A_274 = arith.constant 0 : i32
        %dma_wait3A_275 = arith.constant 0 : i32
        %dma_wait3A_276 = tpu.memref_slice %arg9[%dma_wait3A, %dma_wait3A_274, %dma_wait3A_275] : memref<5x160x128xf32, #tpu.memory_space<vmem>> -> memref<1x160x128xf32, #tpu.memory_space<vmem>>
        %dma_wait3A_277 = tpu.memref_squeeze %dma_wait3A_276 : memref<1x160x128xf32, #tpu.memory_space<vmem>> -> memref<160x128xf32, #tpu.memory_space<vmem>>
        %dma_wait3A_278 = arith.constant 0 : i32
        %dma_wait3A_279 = tpu.memref_slice %arg2[%mul3A_273, %dma_wait3A_278] : memref<100000x128xf32, #tpu.memory_space<hbm>> -> memref<160x128xf32, #tpu.memory_space<hbm>>
        %dma_wait3A_280 = arith.constant 0 : i32
        %dma_wait3A_281 = arith.constant 0 : i32
        %dma_wait3A_282 = tpu.memref_slice %arg9[%dma_wait3A, %dma_wait3A_280, %dma_wait3A_281] : memref<5x160x128xf32, #tpu.memory_space<vmem>> -> memref<1x160x128xf32, #tpu.memory_space<vmem>>
        %dma_wait3A_283 = tpu.memref_squeeze %dma_wait3A_282 : memref<1x160x128xf32, #tpu.memory_space<vmem>> -> memref<160x128xf32, #tpu.memory_space<vmem>>
        %dma_wait3A_284 = arith.constant 0 : i32
        %dma_wait3A_285 = tpu.memref_slice %arg2[%mul3A_273, %dma_wait3A_284] : memref<100000x128xf32, #tpu.memory_space<hbm>> -> memref<160x128xf32, #tpu.memory_space<hbm>>
        tpu.wait_dma2 semaphore(%arg18 : memref<!tpu.dma_semaphore, #tpu.memory_space<semaphore_mem>>) src(%dma_wait3A_285 : memref<160x128xf32, #tpu.memory_space<hbm>>) dst(%dma_wait3A_283 : memref<160x128xf32, #tpu.memory_space<vmem>>)
        %add3A_286 = arith.addi %add3A_227, %sub3A : i32
        %dma_start3A = arith.constant 3 : i32
        %dma_start3A_287 = arith.constant 0 : i32
        %dma_start3A_288 = arith.constant 0 : i32
        %dma_start3A_289 = arith.constant 0 : i32
        %dma_start3A_290 = tpu.memref_slice %arg9[%dma_start3A, %dma_start3A_288, %dma_start3A_289] : memref<5x160x128xf32, #tpu.memory_space<vmem>> -> memref<1x80x128xf32, #tpu.memory_space<vmem>>
        %dma_start3A_291 = tpu.memref_squeeze %dma_start3A_290 : memref<1x80x128xf32, #tpu.memory_space<vmem>> -> memref<80x128xf32, #tpu.memory_space<vmem>>
        %dma_start3A_292 = arith.constant 0 : i32
        %dma_start3A_293 = tpu.memref_slice %arg10[%add3A_286, %dma_start3A_287, %dma_start3A_292] : memref<20x2x80xi32, #tpu.memory_space<vmem>> -> memref<1x1x80xi32, #tpu.memory_space<vmem>>
        %dma_start3A_294 = tpu.memref_squeeze %dma_start3A_293 : memref<1x1x80xi32, #tpu.memory_space<vmem>> -> memref<80xi32, #tpu.memory_space<vmem>>
        %dma_start3A_295 = arith.constant 0 : i32
        %dma_start3A_296 = arith.constant 0 : i32
        %dma_start3A_297 = tpu.memref_slice %arg14[%dma_start3A_295, %dma_start3A_296] : memref<512x128xf32, #tpu.memory_space<vmem_shared>> -> memref<512x128xf32, #tpu.memory_space<vmem_shared>>
        tpu.enqueue_indirect_dma source(%dma_start3A_291 : memref<80x128xf32, #tpu.memory_space<vmem>>) target(%dma_start3A_297 : memref<512x128xf32, #tpu.memory_space<vmem_shared>>) offsets(%dma_start3A_294 : memref<80xi32, #tpu.memory_space<vmem>>) semaphore(%arg23 : memref<!tpu.dma_semaphore, #tpu.memory_space<semaphore_mem>>) {add = true}
        %add3A_298 = arith.addi %add3A_227, %sub3A : i32
        %dma_start3A_299 = arith.constant 3 : i32
        %dma_start3A_300 = arith.constant 1 : i32
        %dma_start3A_301 = arith.constant 80 : i32
        %dma_start3A_302 = arith.constant 0 : i32
        %dma_start3A_303 = tpu.memref_slice %arg9[%dma_start3A_299, %dma_start3A_301, %dma_start3A_302] : memref<5x160x128xf32, #tpu.memory_space<vmem>> -> memref<1x80x128xf32, #tpu.memory_space<vmem>>
        %dma_start3A_304 = tpu.memref_squeeze %dma_start3A_303 : memref<1x80x128xf32, #tpu.memory_space<vmem>> -> memref<80x128xf32, #tpu.memory_space<vmem>>
        %dma_start3A_305 = arith.constant 0 : i32
        %dma_start3A_306 = tpu.memref_slice %arg10[%add3A_298, %dma_start3A_300, %dma_start3A_305] : memref<20x2x80xi32, #tpu.memory_space<vmem>> -> memref<1x1x80xi32, #tpu.memory_space<vmem>>
        %dma_start3A_307 = tpu.memref_squeeze %dma_start3A_306 : memref<1x1x80xi32, #tpu.memory_space<vmem>> -> memref<80xi32, #tpu.memory_space<vmem>>
        %dma_start3A_308 = arith.constant 0 : i32
        %dma_start3A_309 = arith.constant 0 : i32
        %dma_start3A_310 = tpu.memref_slice %arg14[%dma_start3A_308, %dma_start3A_309] : memref<512x128xf32, #tpu.memory_space<vmem_shared>> -> memref<512x128xf32, #tpu.memory_space<vmem_shared>>
        tpu.enqueue_indirect_dma source(%dma_start3A_304 : memref<80x128xf32, #tpu.memory_space<vmem>>) target(%dma_start3A_310 : memref<512x128xf32, #tpu.memory_space<vmem_shared>>) offsets(%dma_start3A_307 : memref<80xi32, #tpu.memory_space<vmem>>) semaphore(%arg23 : memref<!tpu.dma_semaphore, #tpu.memory_space<semaphore_mem>>) {add = true}
      } else {
      }
      %ge3A_232 = arith.constant 3 : i32
      %ge3A_233 = arith.cmpi sge, %add3A_227, %ge3A_232 : i32
      %sub3A_234 = arith.constant 3 : i32
      %sub3A_235 = arith.subi %add3A_227, %sub3A_234 : i32
      %lt3A_236 = arith.cmpi slt, %sub3A_235, %add3A_9 : i32
      %and3A_237 = arith.andi %ge3A_233, %lt3A_236 : i1
      %convert_element_type3A_238 = arith.extui %and3A_237 : i1 to i32
      %cond3A_239 = arith.constant 0 : i32
      %cond3A_240 = arith.cmpi ne, %convert_element_type3A_238, %cond3A_239 : i32
      scf.if %cond3A_240 {
        %sub3A_271 = arith.constant 3 : i32
        %sub3A_272 = arith.subi %add3A_227, %sub3A_271 : i32
        %add3A_273 = arith.addi %sub3A_272, %sub3A : i32
        %dma_wait3A = arith.constant 0 : i32
        %dma_wait3A_274 = arith.constant 0 : i32
        %dma_wait3A_275 = arith.constant 0 : i32
        %dma_wait3A_276 = arith.constant 0 : i32
        %dma_wait3A_277 = tpu.memref_slice %arg9[%dma_wait3A, %dma_wait3A_275, %dma_wait3A_276] : memref<5x160x128xf32, #tpu.memory_space<vmem>> -> memref<1x80x128xf32, #tpu.memory_space<vmem>>
        %dma_wait3A_278 = tpu.memref_squeeze %dma_wait3A_277 : memref<1x80x128xf32, #tpu.memory_space<vmem>> -> memref<80x128xf32, #tpu.memory_space<vmem>>
        %dma_wait3A_279 = arith.constant 0 : i32
        %dma_wait3A_280 = tpu.memref_slice %arg10[%add3A_273, %dma_wait3A_274, %dma_wait3A_279] : memref<20x2x80xi32, #tpu.memory_space<vmem>> -> memref<1x1x80xi32, #tpu.memory_space<vmem>>
        %dma_wait3A_281 = tpu.memref_squeeze %dma_wait3A_280 : memref<1x1x80xi32, #tpu.memory_space<vmem>> -> memref<80xi32, #tpu.memory_space<vmem>>
        %dma_wait3A_282 = arith.constant 0 : i32
        %dma_wait3A_283 = arith.constant 0 : i32
        %dma_wait3A_284 = tpu.memref_slice %arg14[%dma_wait3A_282, %dma_wait3A_283] : memref<512x128xf32, #tpu.memory_space<vmem_shared>> -> memref<512x128xf32, #tpu.memory_space<vmem_shared>>
        tpu.wait_indirect_dma semaphore(%arg20 : memref<!tpu.dma_semaphore, #tpu.memory_space<semaphore_mem>>) src(%dma_wait3A_278 : memref<80x128xf32, #tpu.memory_space<vmem>>) dst(%dma_wait3A_284 : memref<512x128xf32, #tpu.memory_space<vmem_shared>>)
        %sub3A_285 = arith.constant 3 : i32
        %sub3A_286 = arith.subi %add3A_227, %sub3A_285 : i32
        %add3A_287 = arith.addi %sub3A_286, %sub3A : i32
        %dma_wait3A_288 = arith.constant 0 : i32
        %dma_wait3A_289 = arith.constant 1 : i32
        %dma_wait3A_290 = arith.constant 80 : i32
        %dma_wait3A_291 = arith.constant 0 : i32
        %dma_wait3A_292 = tpu.memref_slice %arg9[%dma_wait3A_288, %dma_wait3A_290, %dma_wait3A_291] : memref<5x160x128xf32, #tpu.memory_space<vmem>> -> memref<1x80x128xf32, #tpu.memory_space<vmem>>
        %dma_wait3A_293 = tpu.memref_squeeze %dma_wait3A_292 : memref<1x80x128xf32, #tpu.memory_space<vmem>> -> memref<80x128xf32, #tpu.memory_space<vmem>>
        %dma_wait3A_294 = arith.constant 0 : i32
        %dma_wait3A_295 = tpu.memref_slice %arg10[%add3A_287, %dma_wait3A_289, %dma_wait3A_294] : memref<20x2x80xi32, #tpu.memory_space<vmem>> -> memref<1x1x80xi32, #tpu.memory_space<vmem>>
        %dma_wait3A_296 = tpu.memref_squeeze %dma_wait3A_295 : memref<1x1x80xi32, #tpu.memory_space<vmem>> -> memref<80xi32, #tpu.memory_space<vmem>>
        %dma_wait3A_297 = arith.constant 0 : i32
        %dma_wait3A_298 = arith.constant 0 : i32
        %dma_wait3A_299 = tpu.memref_slice %arg14[%dma_wait3A_297, %dma_wait3A_298] : memref<512x128xf32, #tpu.memory_space<vmem_shared>> -> memref<512x128xf32, #tpu.memory_space<vmem_shared>>
        tpu.wait_indirect_dma semaphore(%arg20 : memref<!tpu.dma_semaphore, #tpu.memory_space<semaphore_mem>>) src(%dma_wait3A_293 : memref<80x128xf32, #tpu.memory_space<vmem>>) dst(%dma_wait3A_299 : memref<512x128xf32, #tpu.memory_space<vmem_shared>>)
      } else {
      }
      %add3A_241 = arith.constant 2 : i32
      %add3A_242 = arith.addi %add3A_227, %add3A_241 : i32
      %lt3A_243 = arith.cmpi slt, %add3A_242, %add3A_9 : i32
      %convert_element_type3A_244 = arith.extui %lt3A_243 : i1 to i32
      %cond3A_245 = arith.constant 0 : i32
      %cond3A_246 = arith.cmpi ne, %convert_element_type3A_244, %cond3A_245 : i32
      scf.if %cond3A_246 {
        %add3A_271 = arith.constant 2 : i32
        %add3A_272 = arith.addi %add3A_227, %add3A_271 : i32
        %add3A_273 = arith.addi %add3A_6, %add3A_272 : i32
        %mul3A_274 = arith.constant 160 : i32
        %mul3A_275 = arith.muli %add3A_273, %mul3A_274 : i32
        %dma_start3A = arith.constant 0 : i32
        %dma_start3A_276 = arith.constant 0 : i32
        %dma_start3A_277 = arith.constant 0 : i32
        %dma_start3A_278 = tpu.memref_slice %arg9[%dma_start3A, %dma_start3A_276, %dma_start3A_277] : memref<5x160x128xf32, #tpu.memory_space<vmem>> -> memref<1x160x128xf32, #tpu.memory_space<vmem>>
        %dma_start3A_279 = tpu.memref_squeeze %dma_start3A_278 : memref<1x160x128xf32, #tpu.memory_space<vmem>> -> memref<160x128xf32, #tpu.memory_space<vmem>>
        %dma_start3A_280 = arith.constant 0 : i32
        %dma_start3A_281 = tpu.memref_slice %arg2[%mul3A_275, %dma_start3A_280] : memref<100000x128xf32, #tpu.memory_space<hbm>> -> memref<160x128xf32, #tpu.memory_space<hbm>>
        %dma_start3A_282 = arith.constant 0 : i32
        %dma_start3A_283 = arith.constant 0 : i32
        %dma_start3A_284 = tpu.memref_slice %arg9[%dma_start3A, %dma_start3A_282, %dma_start3A_283] : memref<5x160x128xf32, #tpu.memory_space<vmem>> -> memref<1x160x128xf32, #tpu.memory_space<vmem>>
        %dma_start3A_285 = tpu.memref_squeeze %dma_start3A_284 : memref<1x160x128xf32, #tpu.memory_space<vmem>> -> memref<160x128xf32, #tpu.memory_space<vmem>>
        %dma_start3A_286 = arith.constant 0 : i32
        %dma_start3A_287 = tpu.memref_slice %arg2[%mul3A_275, %dma_start3A_286] : memref<100000x128xf32, #tpu.memory_space<hbm>> -> memref<160x128xf32, #tpu.memory_space<hbm>>
        tpu.enqueue_dma source(%dma_start3A_287 : memref<160x128xf32, #tpu.memory_space<hbm>>) target(%dma_start3A_285 : memref<160x128xf32, #tpu.memory_space<vmem>>) target_semaphore(%arg15 : memref<!tpu.dma_semaphore, #tpu.memory_space<semaphore_mem>>)
      } else {
      }
      %mul3A_247 = arith.constant 5 : i32
      %mul3A_248 = arith.muli %mul3A_247, %scan3A_154 : i32
      %add3A_249 = arith.constant 4 : i32
      %add3A_250 = arith.addi %mul3A_248, %add3A_249 : i32
      %lt3A_251 = arith.cmpi slt, %add3A_250, %add3A_9 : i32
      %convert_element_type3A_252 = arith.extui %lt3A_251 : i1 to i32
      %cond3A_253 = arith.constant 0 : i32
      %cond3A_254 = arith.cmpi ne, %convert_element_type3A_252, %cond3A_253 : i32
      scf.if %cond3A_254 {
        %add3A_271 = arith.addi %add3A_6, %add3A_250 : i32
        %mul3A_272 = arith.constant 160 : i32
        %mul3A_273 = arith.muli %add3A_271, %mul3A_272 : i32
        %dma_wait3A = arith.constant 4 : i32
        %dma_wait3A_274 = arith.constant 0 : i32
        %dma_wait3A_275 = arith.constant 0 : i32
        %dma_wait3A_276 = tpu.memref_slice %arg9[%dma_wait3A, %dma_wait3A_274, %dma_wait3A_275] : memref<5x160x128xf32, #tpu.memory_space<vmem>> -> memref<1x160x128xf32, #tpu.memory_space<vmem>>
        %dma_wait3A_277 = tpu.memref_squeeze %dma_wait3A_276 : memref<1x160x128xf32, #tpu.memory_space<vmem>> -> memref<160x128xf32, #tpu.memory_space<vmem>>
        %dma_wait3A_278 = arith.constant 0 : i32
        %dma_wait3A_279 = tpu.memref_slice %arg2[%mul3A_273, %dma_wait3A_278] : memref<100000x128xf32, #tpu.memory_space<hbm>> -> memref<160x128xf32, #tpu.memory_space<hbm>>
        %dma_wait3A_280 = arith.constant 0 : i32
        %dma_wait3A_281 = arith.constant 0 : i32
        %dma_wait3A_282 = tpu.memref_slice %arg9[%dma_wait3A, %dma_wait3A_280, %dma_wait3A_281] : memref<5x160x128xf32, #tpu.memory_space<vmem>> -> memref<1x160x128xf32, #tpu.memory_space<vmem>>
        %dma_wait3A_283 = tpu.memref_squeeze %dma_wait3A_282 : memref<1x160x128xf32, #tpu.memory_space<vmem>> -> memref<160x128xf32, #tpu.memory_space<vmem>>
        %dma_wait3A_284 = arith.constant 0 : i32
        %dma_wait3A_285 = tpu.memref_slice %arg2[%mul3A_273, %dma_wait3A_284] : memref<100000x128xf32, #tpu.memory_space<hbm>> -> memref<160x128xf32, #tpu.memory_space<hbm>>
        tpu.wait_dma2 semaphore(%arg19 : memref<!tpu.dma_semaphore, #tpu.memory_space<semaphore_mem>>) src(%dma_wait3A_285 : memref<160x128xf32, #tpu.memory_space<hbm>>) dst(%dma_wait3A_283 : memref<160x128xf32, #tpu.memory_space<vmem>>)
        %add3A_286 = arith.addi %add3A_250, %sub3A : i32
        %dma_start3A = arith.constant 4 : i32
        %dma_start3A_287 = arith.constant 0 : i32
        %dma_start3A_288 = arith.constant 0 : i32
        %dma_start3A_289 = arith.constant 0 : i32
        %dma_start3A_290 = tpu.memref_slice %arg9[%dma_start3A, %dma_start3A_288, %dma_start3A_289] : memref<5x160x128xf32, #tpu.memory_space<vmem>> -> memref<1x80x128xf32, #tpu.memory_space<vmem>>
        %dma_start3A_291 = tpu.memref_squeeze %dma_start3A_290 : memref<1x80x128xf32, #tpu.memory_space<vmem>> -> memref<80x128xf32, #tpu.memory_space<vmem>>
        %dma_start3A_292 = arith.constant 0 : i32
        %dma_start3A_293 = tpu.memref_slice %arg10[%add3A_286, %dma_start3A_287, %dma_start3A_292] : memref<20x2x80xi32, #tpu.memory_space<vmem>> -> memref<1x1x80xi32, #tpu.memory_space<vmem>>
        %dma_start3A_294 = tpu.memref_squeeze %dma_start3A_293 : memref<1x1x80xi32, #tpu.memory_space<vmem>> -> memref<80xi32, #tpu.memory_space<vmem>>
        %dma_start3A_295 = arith.constant 0 : i32
        %dma_start3A_296 = arith.constant 0 : i32
        %dma_start3A_297 = tpu.memref_slice %arg14[%dma_start3A_295, %dma_start3A_296] : memref<512x128xf32, #tpu.memory_space<vmem_shared>> -> memref<512x128xf32, #tpu.memory_space<vmem_shared>>
        tpu.enqueue_indirect_dma source(%dma_start3A_291 : memref<80x128xf32, #tpu.memory_space<vmem>>) target(%dma_start3A_297 : memref<512x128xf32, #tpu.memory_space<vmem_shared>>) offsets(%dma_start3A_294 : memref<80xi32, #tpu.memory_space<vmem>>) semaphore(%arg24 : memref<!tpu.dma_semaphore, #tpu.memory_space<semaphore_mem>>) {add = true}
        %add3A_298 = arith.addi %add3A_250, %sub3A : i32
        %dma_start3A_299 = arith.constant 4 : i32
        %dma_start3A_300 = arith.constant 1 : i32
        %dma_start3A_301 = arith.constant 80 : i32
        %dma_start3A_302 = arith.constant 0 : i32
        %dma_start3A_303 = tpu.memref_slice %arg9[%dma_start3A_299, %dma_start3A_301, %dma_start3A_302] : memref<5x160x128xf32, #tpu.memory_space<vmem>> -> memref<1x80x128xf32, #tpu.memory_space<vmem>>
        %dma_start3A_304 = tpu.memref_squeeze %dma_start3A_303 : memref<1x80x128xf32, #tpu.memory_space<vmem>> -> memref<80x128xf32, #tpu.memory_space<vmem>>
        %dma_start3A_305 = arith.constant 0 : i32
        %dma_start3A_306 = tpu.memref_slice %arg10[%add3A_298, %dma_start3A_300, %dma_start3A_305] : memref<20x2x80xi32, #tpu.memory_space<vmem>> -> memref<1x1x80xi32, #tpu.memory_space<vmem>>
        %dma_start3A_307 = tpu.memref_squeeze %dma_start3A_306 : memref<1x1x80xi32, #tpu.memory_space<vmem>> -> memref<80xi32, #tpu.memory_space<vmem>>
        %dma_start3A_308 = arith.constant 0 : i32
        %dma_start3A_309 = arith.constant 0 : i32
        %dma_start3A_310 = tpu.memref_slice %arg14[%dma_start3A_308, %dma_start3A_309] : memref<512x128xf32, #tpu.memory_space<vmem_shared>> -> memref<512x128xf32, #tpu.memory_space<vmem_shared>>
        tpu.enqueue_indirect_dma source(%dma_start3A_304 : memref<80x128xf32, #tpu.memory_space<vmem>>) target(%dma_start3A_310 : memref<512x128xf32, #tpu.memory_space<vmem_shared>>) offsets(%dma_start3A_307 : memref<80xi32, #tpu.memory_space<vmem>>) semaphore(%arg24 : memref<!tpu.dma_semaphore, #tpu.memory_space<semaphore_mem>>) {add = true}
      } else {
      }
      %ge3A_255 = arith.constant 3 : i32
      %ge3A_256 = arith.cmpi sge, %add3A_250, %ge3A_255 : i32
      %sub3A_257 = arith.constant 3 : i32
      %sub3A_258 = arith.subi %add3A_250, %sub3A_257 : i32
      %lt3A_259 = arith.cmpi slt, %sub3A_258, %add3A_9 : i32
      %and3A_260 = arith.andi %ge3A_256, %lt3A_259 : i1
      %convert_element_type3A_261 = arith.extui %and3A_260 : i1 to i32
      %cond3A_262 = arith.constant 0 : i32
      %cond3A_263 = arith.cmpi ne, %convert_element_type3A_261, %cond3A_262 : i32
      scf.if %cond3A_263 {
        %sub3A_271 = arith.constant 3 : i32
        %sub3A_272 = arith.subi %add3A_250, %sub3A_271 : i32
        %add3A_273 = arith.addi %sub3A_272, %sub3A : i32
        %dma_wait3A = arith.constant 1 : i32
        %dma_wait3A_274 = arith.constant 0 : i32
        %dma_wait3A_275 = arith.constant 0 : i32
        %dma_wait3A_276 = arith.constant 0 : i32
        %dma_wait3A_277 = tpu.memref_slice %arg9[%dma_wait3A, %dma_wait3A_275, %dma_wait3A_276] : memref<5x160x128xf32, #tpu.memory_space<vmem>> -> memref<1x80x128xf32, #tpu.memory_space<vmem>>
        %dma_wait3A_278 = tpu.memref_squeeze %dma_wait3A_277 : memref<1x80x128xf32, #tpu.memory_space<vmem>> -> memref<80x128xf32, #tpu.memory_space<vmem>>
        %dma_wait3A_279 = arith.constant 0 : i32
        %dma_wait3A_280 = tpu.memref_slice %arg10[%add3A_273, %dma_wait3A_274, %dma_wait3A_279] : memref<20x2x80xi32, #tpu.memory_space<vmem>> -> memref<1x1x80xi32, #tpu.memory_space<vmem>>
        %dma_wait3A_281 = tpu.memref_squeeze %dma_wait3A_280 : memref<1x1x80xi32, #tpu.memory_space<vmem>> -> memref<80xi32, #tpu.memory_space<vmem>>
        %dma_wait3A_282 = arith.constant 0 : i32
        %dma_wait3A_283 = arith.constant 0 : i32
        %dma_wait3A_284 = tpu.memref_slice %arg14[%dma_wait3A_282, %dma_wait3A_283] : memref<512x128xf32, #tpu.memory_space<vmem_shared>> -> memref<512x128xf32, #tpu.memory_space<vmem_shared>>
        tpu.wait_indirect_dma semaphore(%arg21 : memref<!tpu.dma_semaphore, #tpu.memory_space<semaphore_mem>>) src(%dma_wait3A_278 : memref<80x128xf32, #tpu.memory_space<vmem>>) dst(%dma_wait3A_284 : memref<512x128xf32, #tpu.memory_space<vmem_shared>>)
        %sub3A_285 = arith.constant 3 : i32
        %sub3A_286 = arith.subi %add3A_250, %sub3A_285 : i32
        %add3A_287 = arith.addi %sub3A_286, %sub3A : i32
        %dma_wait3A_288 = arith.constant 1 : i32
        %dma_wait3A_289 = arith.constant 1 : i32
        %dma_wait3A_290 = arith.constant 80 : i32
        %dma_wait3A_291 = arith.constant 0 : i32
        %dma_wait3A_292 = tpu.memref_slice %arg9[%dma_wait3A_288, %dma_wait3A_290, %dma_wait3A_291] : memref<5x160x128xf32, #tpu.memory_space<vmem>> -> memref<1x80x128xf32, #tpu.memory_space<vmem>>
        %dma_wait3A_293 = tpu.memref_squeeze %dma_wait3A_292 : memref<1x80x128xf32, #tpu.memory_space<vmem>> -> memref<80x128xf32, #tpu.memory_space<vmem>>
        %dma_wait3A_294 = arith.constant 0 : i32
        %dma_wait3A_295 = tpu.memref_slice %arg10[%add3A_287, %dma_wait3A_289, %dma_wait3A_294] : memref<20x2x80xi32, #tpu.memory_space<vmem>> -> memref<1x1x80xi32, #tpu.memory_space<vmem>>
        %dma_wait3A_296 = tpu.memref_squeeze %dma_wait3A_295 : memref<1x1x80xi32, #tpu.memory_space<vmem>> -> memref<80xi32, #tpu.memory_space<vmem>>
        %dma_wait3A_297 = arith.constant 0 : i32
        %dma_wait3A_298 = arith.constant 0 : i32
        %dma_wait3A_299 = tpu.memref_slice %arg14[%dma_wait3A_297, %dma_wait3A_298] : memref<512x128xf32, #tpu.memory_space<vmem_shared>> -> memref<512x128xf32, #tpu.memory_space<vmem_shared>>
        tpu.wait_indirect_dma semaphore(%arg21 : memref<!tpu.dma_semaphore, #tpu.memory_space<semaphore_mem>>) src(%dma_wait3A_293 : memref<80x128xf32, #tpu.memory_space<vmem>>) dst(%dma_wait3A_299 : memref<512x128xf32, #tpu.memory_space<vmem_shared>>)
      } else {
      }
      %add3A_264 = arith.constant 2 : i32
      %add3A_265 = arith.addi %add3A_250, %add3A_264 : i32
      %lt3A_266 = arith.cmpi slt, %add3A_265, %add3A_9 : i32
      %convert_element_type3A_267 = arith.extui %lt3A_266 : i1 to i32
      %cond3A_268 = arith.constant 0 : i32
      %cond3A_269 = arith.cmpi ne, %convert_element_type3A_267, %cond3A_268 : i32
      scf.if %cond3A_269 {
        %add3A_271 = arith.constant 2 : i32
        %add3A_272 = arith.addi %add3A_250, %add3A_271 : i32
        %add3A_273 = arith.addi %add3A_6, %add3A_272 : i32
        %mul3A_274 = arith.constant 160 : i32
        %mul3A_275 = arith.muli %add3A_273, %mul3A_274 : i32
        %dma_start3A = arith.constant 1 : i32
        %dma_start3A_276 = arith.constant 0 : i32
        %dma_start3A_277 = arith.constant 0 : i32
        %dma_start3A_278 = tpu.memref_slice %arg9[%dma_start3A, %dma_start3A_276, %dma_start3A_277] : memref<5x160x128xf32, #tpu.memory_space<vmem>> -> memref<1x160x128xf32, #tpu.memory_space<vmem>>
        %dma_start3A_279 = tpu.memref_squeeze %dma_start3A_278 : memref<1x160x128xf32, #tpu.memory_space<vmem>> -> memref<160x128xf32, #tpu.memory_space<vmem>>
        %dma_start3A_280 = arith.constant 0 : i32
        %dma_start3A_281 = tpu.memref_slice %arg2[%mul3A_275, %dma_start3A_280] : memref<100000x128xf32, #tpu.memory_space<hbm>> -> memref<160x128xf32, #tpu.memory_space<hbm>>
        %dma_start3A_282 = arith.constant 0 : i32
        %dma_start3A_283 = arith.constant 0 : i32
        %dma_start3A_284 = tpu.memref_slice %arg9[%dma_start3A, %dma_start3A_282, %dma_start3A_283] : memref<5x160x128xf32, #tpu.memory_space<vmem>> -> memref<1x160x128xf32, #tpu.memory_space<vmem>>
        %dma_start3A_285 = tpu.memref_squeeze %dma_start3A_284 : memref<1x160x128xf32, #tpu.memory_space<vmem>> -> memref<160x128xf32, #tpu.memory_space<vmem>>
        %dma_start3A_286 = arith.constant 0 : i32
        %dma_start3A_287 = tpu.memref_slice %arg2[%mul3A_275, %dma_start3A_286] : memref<100000x128xf32, #tpu.memory_space<hbm>> -> memref<160x128xf32, #tpu.memory_space<hbm>>
        tpu.enqueue_dma source(%dma_start3A_287 : memref<160x128xf32, #tpu.memory_space<hbm>>) target(%dma_start3A_285 : memref<160x128xf32, #tpu.memory_space<vmem>>) target_semaphore(%arg16 : memref<!tpu.dma_semaphore, #tpu.memory_space<semaphore_mem>>)
      } else {
      }
      %scan3A_270 = arith.constant 0 : i32
      scf.yield %scan3A_270 : i32
    }
    %scan3A_31 = arith.constant 4 : i32
    %gt3A_32 = arith.constant 17 : i32
    %gt3A_33 = arith.cmpi sgt, %add3A_9, %gt3A_32 : i32
    %convert_element_type3A_34 = arith.extui %gt3A_33 : i1 to i32
    %cond3A_35 = arith.constant 0 : i32
    %cond3A_36 = arith.cmpi ne, %convert_element_type3A_34, %cond3A_35 : i32
    scf.if %cond3A_36 {
      %add3A_154 = arith.constant 17 : i32
      %add3A_155 = arith.addi %add3A_154, %sub3A : i32
      %dma_wait3A = arith.constant 2 : i32
      %dma_wait3A_156 = arith.constant 0 : i32
      %dma_wait3A_157 = arith.constant 0 : i32
      %dma_wait3A_158 = arith.constant 0 : i32
      %dma_wait3A_159 = tpu.memref_slice %arg9[%dma_wait3A, %dma_wait3A_157, %dma_wait3A_158] : memref<5x160x128xf32, #tpu.memory_space<vmem>> -> memref<1x80x128xf32, #tpu.memory_space<vmem>>
      %dma_wait3A_160 = tpu.memref_squeeze %dma_wait3A_159 : memref<1x80x128xf32, #tpu.memory_space<vmem>> -> memref<80x128xf32, #tpu.memory_space<vmem>>
      %dma_wait3A_161 = arith.constant 0 : i32
      %dma_wait3A_162 = tpu.memref_slice %arg10[%add3A_155, %dma_wait3A_156, %dma_wait3A_161] : memref<20x2x80xi32, #tpu.memory_space<vmem>> -> memref<1x1x80xi32, #tpu.memory_space<vmem>>
      %dma_wait3A_163 = tpu.memref_squeeze %dma_wait3A_162 : memref<1x1x80xi32, #tpu.memory_space<vmem>> -> memref<80xi32, #tpu.memory_space<vmem>>
      %dma_wait3A_164 = arith.constant 0 : i32
      %dma_wait3A_165 = arith.constant 0 : i32
      %dma_wait3A_166 = tpu.memref_slice %arg14[%dma_wait3A_164, %dma_wait3A_165] : memref<512x128xf32, #tpu.memory_space<vmem_shared>> -> memref<512x128xf32, #tpu.memory_space<vmem_shared>>
      tpu.wait_indirect_dma semaphore(%arg22 : memref<!tpu.dma_semaphore, #tpu.memory_space<semaphore_mem>>) src(%dma_wait3A_160 : memref<80x128xf32, #tpu.memory_space<vmem>>) dst(%dma_wait3A_166 : memref<512x128xf32, #tpu.memory_space<vmem_shared>>)
      %add3A_167 = arith.constant 17 : i32
      %add3A_168 = arith.addi %add3A_167, %sub3A : i32
      %dma_wait3A_169 = arith.constant 2 : i32
      %dma_wait3A_170 = arith.constant 1 : i32
      %dma_wait3A_171 = arith.constant 80 : i32
      %dma_wait3A_172 = arith.constant 0 : i32
      %dma_wait3A_173 = tpu.memref_slice %arg9[%dma_wait3A_169, %dma_wait3A_171, %dma_wait3A_172] : memref<5x160x128xf32, #tpu.memory_space<vmem>> -> memref<1x80x128xf32, #tpu.memory_space<vmem>>
      %dma_wait3A_174 = tpu.memref_squeeze %dma_wait3A_173 : memref<1x80x128xf32, #tpu.memory_space<vmem>> -> memref<80x128xf32, #tpu.memory_space<vmem>>
      %dma_wait3A_175 = arith.constant 0 : i32
      %dma_wait3A_176 = tpu.memref_slice %arg10[%add3A_168, %dma_wait3A_170, %dma_wait3A_175] : memref<20x2x80xi32, #tpu.memory_space<vmem>> -> memref<1x1x80xi32, #tpu.memory_space<vmem>>
      %dma_wait3A_177 = tpu.memref_squeeze %dma_wait3A_176 : memref<1x1x80xi32, #tpu.memory_space<vmem>> -> memref<80xi32, #tpu.memory_space<vmem>>
      %dma_wait3A_178 = arith.constant 0 : i32
      %dma_wait3A_179 = arith.constant 0 : i32
      %dma_wait3A_180 = tpu.memref_slice %arg14[%dma_wait3A_178, %dma_wait3A_179] : memref<512x128xf32, #tpu.memory_space<vmem_shared>> -> memref<512x128xf32, #tpu.memory_space<vmem_shared>>
      tpu.wait_indirect_dma semaphore(%arg22 : memref<!tpu.dma_semaphore, #tpu.memory_space<semaphore_mem>>) src(%dma_wait3A_174 : memref<80x128xf32, #tpu.memory_space<vmem>>) dst(%dma_wait3A_180 : memref<512x128xf32, #tpu.memory_space<vmem_shared>>)
    } else {
    }
    %gt3A_37 = arith.constant 18 : i32
    %gt3A_38 = arith.cmpi sgt, %add3A_9, %gt3A_37 : i32
    %convert_element_type3A_39 = arith.extui %gt3A_38 : i1 to i32
    %cond3A_40 = arith.constant 0 : i32
    %cond3A_41 = arith.cmpi ne, %convert_element_type3A_39, %cond3A_40 : i32
    scf.if %cond3A_41 {
      %add3A_154 = arith.constant 18 : i32
      %add3A_155 = arith.addi %add3A_154, %sub3A : i32
      %dma_wait3A = arith.constant 3 : i32
      %dma_wait3A_156 = arith.constant 0 : i32
      %dma_wait3A_157 = arith.constant 0 : i32
      %dma_wait3A_158 = arith.constant 0 : i32
      %dma_wait3A_159 = tpu.memref_slice %arg9[%dma_wait3A, %dma_wait3A_157, %dma_wait3A_158] : memref<5x160x128xf32, #tpu.memory_space<vmem>> -> memref<1x80x128xf32, #tpu.memory_space<vmem>>
      %dma_wait3A_160 = tpu.memref_squeeze %dma_wait3A_159 : memref<1x80x128xf32, #tpu.memory_space<vmem>> -> memref<80x128xf32, #tpu.memory_space<vmem>>
      %dma_wait3A_161 = arith.constant 0 : i32
      %dma_wait3A_162 = tpu.memref_slice %arg10[%add3A_155, %dma_wait3A_156, %dma_wait3A_161] : memref<20x2x80xi32, #tpu.memory_space<vmem>> -> memref<1x1x80xi32, #tpu.memory_space<vmem>>
      %dma_wait3A_163 = tpu.memref_squeeze %dma_wait3A_162 : memref<1x1x80xi32, #tpu.memory_space<vmem>> -> memref<80xi32, #tpu.memory_space<vmem>>
      %dma_wait3A_164 = arith.constant 0 : i32
      %dma_wait3A_165 = arith.constant 0 : i32
      %dma_wait3A_166 = tpu.memref_slice %arg14[%dma_wait3A_164, %dma_wait3A_165] : memref<512x128xf32, #tpu.memory_space<vmem_shared>> -> memref<512x128xf32, #tpu.memory_space<vmem_shared>>
      tpu.wait_indirect_dma semaphore(%arg23 : memref<!tpu.dma_semaphore, #tpu.memory_space<semaphore_mem>>) src(%dma_wait3A_160 : memref<80x128xf32, #tpu.memory_space<vmem>>) dst(%dma_wait3A_166 : memref<512x128xf32, #tpu.memory_space<vmem_shared>>)
      %add3A_167 = arith.constant 18 : i32
      %add3A_168 = arith.addi %add3A_167, %sub3A : i32
      %dma_wait3A_169 = arith.constant 3 : i32
      %dma_wait3A_170 = arith.constant 1 : i32
      %dma_wait3A_171 = arith.constant 80 : i32
      %dma_wait3A_172 = arith.constant 0 : i32
      %dma_wait3A_173 = tpu.memref_slice %arg9[%dma_wait3A_169, %dma_wait3A_171, %dma_wait3A_172] : memref<5x160x128xf32, #tpu.memory_space<vmem>> -> memref<1x80x128xf32, #tpu.memory_space<vmem>>
      %dma_wait3A_174 = tpu.memref_squeeze %dma_wait3A_173 : memref<1x80x128xf32, #tpu.memory_space<vmem>> -> memref<80x128xf32, #tpu.memory_space<vmem>>
      %dma_wait3A_175 = arith.constant 0 : i32
      %dma_wait3A_176 = tpu.memref_slice %arg10[%add3A_168, %dma_wait3A_170, %dma_wait3A_175] : memref<20x2x80xi32, #tpu.memory_space<vmem>> -> memref<1x1x80xi32, #tpu.memory_space<vmem>>
      %dma_wait3A_177 = tpu.memref_squeeze %dma_wait3A_176 : memref<1x1x80xi32, #tpu.memory_space<vmem>> -> memref<80xi32, #tpu.memory_space<vmem>>
      %dma_wait3A_178 = arith.constant 0 : i32
      %dma_wait3A_179 = arith.constant 0 : i32
      %dma_wait3A_180 = tpu.memref_slice %arg14[%dma_wait3A_178, %dma_wait3A_179] : memref<512x128xf32, #tpu.memory_space<vmem_shared>> -> memref<512x128xf32, #tpu.memory_space<vmem_shared>>
      tpu.wait_indirect_dma semaphore(%arg23 : memref<!tpu.dma_semaphore, #tpu.memory_space<semaphore_mem>>) src(%dma_wait3A_174 : memref<80x128xf32, #tpu.memory_space<vmem>>) dst(%dma_wait3A_180 : memref<512x128xf32, #tpu.memory_space<vmem_shared>>)
    } else {
    }
    %gt3A_42 = arith.constant 19 : i32
    %gt3A_43 = arith.cmpi sgt, %add3A_9, %gt3A_42 : i32
    %convert_element_type3A_44 = arith.extui %gt3A_43 : i1 to i32
    %cond3A_45 = arith.constant 0 : i32
    %cond3A_46 = arith.cmpi ne, %convert_element_type3A_44, %cond3A_45 : i32
    scf.if %cond3A_46 {
      %add3A_154 = arith.constant 19 : i32
      %add3A_155 = arith.addi %add3A_154, %sub3A : i32
      %dma_wait3A = arith.constant 4 : i32
      %dma_wait3A_156 = arith.constant 0 : i32
      %dma_wait3A_157 = arith.constant 0 : i32
      %dma_wait3A_158 = arith.constant 0 : i32
      %dma_wait3A_159 = tpu.memref_slice %arg9[%dma_wait3A, %dma_wait3A_157, %dma_wait3A_158] : memref<5x160x128xf32, #tpu.memory_space<vmem>> -> memref<1x80x128xf32, #tpu.memory_space<vmem>>
      %dma_wait3A_160 = tpu.memref_squeeze %dma_wait3A_159 : memref<1x80x128xf32, #tpu.memory_space<vmem>> -> memref<80x128xf32, #tpu.memory_space<vmem>>
      %dma_wait3A_161 = arith.constant 0 : i32
      %dma_wait3A_162 = tpu.memref_slice %arg10[%add3A_155, %dma_wait3A_156, %dma_wait3A_161] : memref<20x2x80xi32, #tpu.memory_space<vmem>> -> memref<1x1x80xi32, #tpu.memory_space<vmem>>
      %dma_wait3A_163 = tpu.memref_squeeze %dma_wait3A_162 : memref<1x1x80xi32, #tpu.memory_space<vmem>> -> memref<80xi32, #tpu.memory_space<vmem>>
      %dma_wait3A_164 = arith.constant 0 : i32
      %dma_wait3A_165 = arith.constant 0 : i32
      %dma_wait3A_166 = tpu.memref_slice %arg14[%dma_wait3A_164, %dma_wait3A_165] : memref<512x128xf32, #tpu.memory_space<vmem_shared>> -> memref<512x128xf32, #tpu.memory_space<vmem_shared>>
      tpu.wait_indirect_dma semaphore(%arg24 : memref<!tpu.dma_semaphore, #tpu.memory_space<semaphore_mem>>) src(%dma_wait3A_160 : memref<80x128xf32, #tpu.memory_space<vmem>>) dst(%dma_wait3A_166 : memref<512x128xf32, #tpu.memory_space<vmem_shared>>)
      %add3A_167 = arith.constant 19 : i32
      %add3A_168 = arith.addi %add3A_167, %sub3A : i32
      %dma_wait3A_169 = arith.constant 4 : i32
      %dma_wait3A_170 = arith.constant 1 : i32
      %dma_wait3A_171 = arith.constant 80 : i32
      %dma_wait3A_172 = arith.constant 0 : i32
      %dma_wait3A_173 = tpu.memref_slice %arg9[%dma_wait3A_169, %dma_wait3A_171, %dma_wait3A_172] : memref<5x160x128xf32, #tpu.memory_space<vmem>> -> memref<1x80x128xf32, #tpu.memory_space<vmem>>
      %dma_wait3A_174 = tpu.memref_squeeze %dma_wait3A_173 : memref<1x80x128xf32, #tpu.memory_space<vmem>> -> memref<80x128xf32, #tpu.memory_space<vmem>>
      %dma_wait3A_175 = arith.constant 0 : i32
      %dma_wait3A_176 = tpu.memref_slice %arg10[%add3A_168, %dma_wait3A_170, %dma_wait3A_175] : memref<20x2x80xi32, #tpu.memory_space<vmem>> -> memref<1x1x80xi32, #tpu.memory_space<vmem>>
      %dma_wait3A_177 = tpu.memref_squeeze %dma_wait3A_176 : memref<1x1x80xi32, #tpu.memory_space<vmem>> -> memref<80xi32, #tpu.memory_space<vmem>>
      %dma_wait3A_178 = arith.constant 0 : i32
      %dma_wait3A_179 = arith.constant 0 : i32
      %dma_wait3A_180 = tpu.memref_slice %arg14[%dma_wait3A_178, %dma_wait3A_179] : memref<512x128xf32, #tpu.memory_space<vmem_shared>> -> memref<512x128xf32, #tpu.memory_space<vmem_shared>>
      tpu.wait_indirect_dma semaphore(%arg24 : memref<!tpu.dma_semaphore, #tpu.memory_space<semaphore_mem>>) src(%dma_wait3A_174 : memref<80x128xf32, #tpu.memory_space<vmem>>) dst(%dma_wait3A_180 : memref<512x128xf32, #tpu.memory_space<vmem_shared>>)
    } else {
    }
    %iota3A = tpu.iota {dimensions = array<i32: 0>} : vector<16xi32>
    %jit3A = arith.constant 16 : i32
    %div3A = arith.divsi %mul3A_11, %jit3A : i32
    %sign3A = arith.constant 0 : i32
    %sign3A_47 = arith.cmpi sgt, %mul3A_11, %sign3A : i32
    %sign3A_48 = arith.extui %sign3A_47 : i1 to i32
    %sign3A_49 = arith.constant 0 : i32
    %sign3A_50 = arith.cmpi slt, %mul3A_11, %sign3A_49 : i32
    %sign3A_51 = arith.extui %sign3A_50 : i1 to i32
    %sign3A_52 = arith.subi %sign3A_48, %sign3A_51 : i32
    %sign3A_53 = arith.constant 0 : i32
    %sign3A_54 = arith.cmpi sgt, %jit3A, %sign3A_53 : i32
    %sign3A_55 = arith.extui %sign3A_54 : i1 to i32
    %sign3A_56 = arith.constant 0 : i32
    %sign3A_57 = arith.cmpi slt, %jit3A, %sign3A_56 : i32
    %sign3A_58 = arith.extui %sign3A_57 : i1 to i32
    %sign3A_59 = arith.subi %sign3A_55, %sign3A_58 : i32
    %ne3A = arith.cmpi ne, %sign3A_52, %sign3A_59 : i32
    %rem3A = arith.remsi %mul3A_11, %jit3A : i32
    %ne3A_60 = arith.constant 0 : i32
    %ne3A_61 = arith.cmpi ne, %rem3A, %ne3A_60 : i32
    %and3A = arith.andi %ne3A, %ne3A_61 : i1
    %sub3A_62 = arith.constant 1 : i32
    %sub3A_63 = arith.subi %div3A, %sub3A_62 : i32
    %select_n3A = arith.select %and3A, %sub3A_63, %div3A : i32
    %broadcast_in_dim3A = arith.constant 0 : i32
    %broadcast_in_dim3A_64 = vector.broadcast %broadcast_in_dim3A : i32 to vector<16xi32>
    %while3A = arith.constant 0 : i32
    %while3A_65 = arith.subi %select_n3A, %while3A : i32
    %while3A_66 = arith.addi %while3A, %while3A_65 : i32
    %while3A_67 = arith.constant 1 : i32
    %while3A_68 = arith.divsi %while3A_65, %while3A_67 : i32
    %while3A_69 = arith.muli %while3A_68, %while3A_67 : i32
    %while3A_70 = arith.addi %while3A, %while3A_69 : i32
    %while3A_71 = arith.constant 1 : i32
    %while3A_72 = scf.for %while3A_154 = %while3A to %while3A_70 step %while3A_71 iter_args(%while3A_155 = %broadcast_in_dim3A_64) -> (vector<16xi32>)  : i32 {
      %mul3A_156 = arith.constant 16 : i32
      %mul3A_157 = arith.muli %while3A_154, %mul3A_156 : i32
      %add3A_158 = arith.addi %mul3A_157, %mul3A_15 : i32
      %add3A_159 = arith.constant 16 : i32
      %add3A_160 = arith.addi %add3A_158, %add3A_159 : i32
      %get3A_161 = arith.index_cast %add3A_160 : i32 to index
      %get3A_162 = tpu.vector_load %arg11[%get3A_161] {strides = array<i32>} : memref<3232xi32, #tpu.memory_space<vmem>>, vector<16xi32>,
      %get3A_163 = vector.shape_cast %get3A_162 : vector<16xi32> to vector<16xi32>
      %add3A_164 = arith.constant 16 : i32
      %add3A_165 = arith.addi %add3A_158, %add3A_164 : i32
      %sub3A_166 = arith.constant 1 : i32
      %sub3A_167 = arith.subi %add3A_165, %sub3A_166 : i32
      %get3A_168 = arith.index_cast %sub3A_167 : i32 to index
      %get3A_169 = tpu.vector_load %arg11[%get3A_168] {strides = array<i32>} : memref<3232xi32, #tpu.memory_space<vmem>>, vector<16xi32>,
      %get3A_170 = vector.shape_cast %get3A_169 : vector<16xi32> to vector<16xi32>
      %ne3A_171 = arith.cmpi ne, %get3A_163, %get3A_170 : vector<16xi32>
      %jit3A_172 = arith.constant 1 : i32
      %jit3A_173 = arith.constant 0 : i32
      %broadcast_in_dim3A_174 = vector.broadcast %jit3A_172 : i32 to vector<16xi32>
      %broadcast_in_dim3A_175 = vector.broadcast %jit3A_173 : i32 to vector<16xi32>
      %select_n3A_176 = arith.select %ne3A_171, %broadcast_in_dim3A_174, %broadcast_in_dim3A_175 : vector<16xi1>, vector<16xi32>
      %add3A_177 = arith.addi %while3A_155, %select_n3A_176 : vector<16xi32>
      scf.yield %add3A_177 : vector<16xi32>
    }
    %while3A_73 = arith.constant 1 : i32
    %while3A_74 = scf.for %while3A_154 = %while3A_70 to %while3A_66 step %while3A_73 iter_args(%while3A_155 = %while3A_72) -> (vector<16xi32>)  : i32 {
      %mul3A_156 = arith.constant 16 : i32
      %mul3A_157 = arith.muli %while3A_154, %mul3A_156 : i32
      %add3A_158 = arith.addi %mul3A_157, %mul3A_15 : i32
      %add3A_159 = arith.constant 16 : i32
      %add3A_160 = arith.addi %add3A_158, %add3A_159 : i32
      %get3A_161 = arith.index_cast %add3A_160 : i32 to index
      %get3A_162 = tpu.vector_load %arg11[%get3A_161] {strides = array<i32>} : memref<3232xi32, #tpu.memory_space<vmem>>, vector<16xi32>,
      %get3A_163 = vector.shape_cast %get3A_162 : vector<16xi32> to vector<16xi32>
      %add3A_164 = arith.constant 16 : i32
      %add3A_165 = arith.addi %add3A_158, %add3A_164 : i32
      %sub3A_166 = arith.constant 1 : i32
      %sub3A_167 = arith.subi %add3A_165, %sub3A_166 : i32
      %get3A_168 = arith.index_cast %sub3A_167 : i32 to index
      %get3A_169 = tpu.vector_load %arg11[%get3A_168] {strides = array<i32>} : memref<3232xi32, #tpu.memory_space<vmem>>, vector<16xi32>,
      %get3A_170 = vector.shape_cast %get3A_169 : vector<16xi32> to vector<16xi32>
      %ne3A_171 = arith.cmpi ne, %get3A_163, %get3A_170 : vector<16xi32>
      %jit3A_172 = arith.constant 1 : i32
      %jit3A_173 = arith.constant 0 : i32
      %broadcast_in_dim3A_174 = vector.broadcast %jit3A_172 : i32 to vector<16xi32>
      %broadcast_in_dim3A_175 = vector.broadcast %jit3A_173 : i32 to vector<16xi32>
      %select_n3A_176 = arith.select %ne3A_171, %broadcast_in_dim3A_174, %broadcast_in_dim3A_175 : vector<16xi1>, vector<16xi32>
      %add3A_177 = arith.addi %while3A_155, %select_n3A_176 : vector<16xi32>
      scf.yield %add3A_177 : vector<16xi32>
    }
    %get3A = arith.index_cast %mul3A_15 : i32 to index
    %get3A_75 = tpu.vector_load %arg11[%get3A] {strides = array<i32>} : memref<3232xi32, #tpu.memory_space<vmem>>, vector<16xi32>,
    %get3A_76 = vector.shape_cast %get3A_75 : vector<16xi32> to vector<16xi32>
    %slice3A = vector.extract_strided_slice %get3A_76 {offsets = [15], sizes = [1], strides = [1]} : vector<16xi32> to vector<1xi32>
    %squeeze3A = vector.extract %slice3A[0] : i32 from vector<1xi32>
    %add3A_77 = arith.constant 16 : i32
    %add3A_78 = arith.addi %mul3A_15, %add3A_77 : i32
    %get3A_79 = arith.index_cast %add3A_78 : i32 to index
    %get3A_80 = tpu.vector_load %arg11[%get3A_79] {strides = array<i32>} : memref<3232xi32, #tpu.memory_space<vmem>>, vector<16xi32>,
    %get3A_81 = vector.shape_cast %get3A_80 : vector<16xi32> to vector<16xi32>
    %slice3A_82 = vector.extract_strided_slice %get3A_81 {offsets = [0], sizes = [1], strides = [1]} : vector<16xi32> to vector<1xi32>
    %squeeze3A_83 = vector.extract %slice3A_82[0] : i32 from vector<1xi32>
    %eq3A = arith.cmpi eq, %squeeze3A, %squeeze3A_83 : i32
    %jit3A_84 = arith.constant 1 : i32
    %jit3A_85 = arith.constant 0 : i32
    %select_n3A_86 = arith.select %eq3A, %jit3A_84, %jit3A_85 : i32
    %slice3A_87 = vector.extract_strided_slice %while3A_74 {offsets = [0], sizes = [1], strides = [1]} : vector<16xi32> to vector<1xi32>
    %squeeze3A_88 = vector.extract %slice3A_87[0] : i32 from vector<1xi32>
    %add3A_89 = arith.constant 0 : i32
    %add3A_90 = arith.addi %add3A_89, %squeeze3A_88 : i32
    %slice3A_91 = vector.extract_strided_slice %while3A_74 {offsets = [1], sizes = [1], strides = [1]} : vector<16xi32> to vector<1xi32>
    %squeeze3A_92 = vector.extract %slice3A_91[0] : i32 from vector<1xi32>
    %add3A_93 = arith.addi %add3A_90, %squeeze3A_92 : i32
    %slice3A_94 = vector.extract_strided_slice %while3A_74 {offsets = [2], sizes = [1], strides = [1]} : vector<16xi32> to vector<1xi32>
    %squeeze3A_95 = vector.extract %slice3A_94[0] : i32 from vector<1xi32>
    %add3A_96 = arith.addi %add3A_93, %squeeze3A_95 : i32
    %slice3A_97 = vector.extract_strided_slice %while3A_74 {offsets = [3], sizes = [1], strides = [1]} : vector<16xi32> to vector<1xi32>
    %squeeze3A_98 = vector.extract %slice3A_97[0] : i32 from vector<1xi32>
    %add3A_99 = arith.addi %add3A_96, %squeeze3A_98 : i32
    %slice3A_100 = vector.extract_strided_slice %while3A_74 {offsets = [4], sizes = [1], strides = [1]} : vector<16xi32> to vector<1xi32>
    %squeeze3A_101 = vector.extract %slice3A_100[0] : i32 from vector<1xi32>
    %add3A_102 = arith.addi %add3A_99, %squeeze3A_101 : i32
    %slice3A_103 = vector.extract_strided_slice %while3A_74 {offsets = [5], sizes = [1], strides = [1]} : vector<16xi32> to vector<1xi32>
    %squeeze3A_104 = vector.extract %slice3A_103[0] : i32 from vector<1xi32>
    %add3A_105 = arith.addi %add3A_102, %squeeze3A_104 : i32
    %slice3A_106 = vector.extract_strided_slice %while3A_74 {offsets = [6], sizes = [1], strides = [1]} : vector<16xi32> to vector<1xi32>
    %squeeze3A_107 = vector.extract %slice3A_106[0] : i32 from vector<1xi32>
    %add3A_108 = arith.addi %add3A_105, %squeeze3A_107 : i32
    %slice3A_109 = vector.extract_strided_slice %while3A_74 {offsets = [7], sizes = [1], strides = [1]} : vector<16xi32> to vector<1xi32>
    %squeeze3A_110 = vector.extract %slice3A_109[0] : i32 from vector<1xi32>
    %add3A_111 = arith.addi %add3A_108, %squeeze3A_110 : i32
    %slice3A_112 = vector.extract_strided_slice %while3A_74 {offsets = [8], sizes = [1], strides = [1]} : vector<16xi32> to vector<1xi32>
    %squeeze3A_113 = vector.extract %slice3A_112[0] : i32 from vector<1xi32>
    %add3A_114 = arith.addi %add3A_111, %squeeze3A_113 : i32
    %slice3A_115 = vector.extract_strided_slice %while3A_74 {offsets = [9], sizes = [1], strides = [1]} : vector<16xi32> to vector<1xi32>
    %squeeze3A_116 = vector.extract %slice3A_115[0] : i32 from vector<1xi32>
    %add3A_117 = arith.addi %add3A_114, %squeeze3A_116 : i32
    %slice3A_118 = vector.extract_strided_slice %while3A_74 {offsets = [10], sizes = [1], strides = [1]} : vector<16xi32> to vector<1xi32>
    %squeeze3A_119 = vector.extract %slice3A_118[0] : i32 from vector<1xi32>
    %add3A_120 = arith.addi %add3A_117, %squeeze3A_119 : i32
    %slice3A_121 = vector.extract_strided_slice %while3A_74 {offsets = [11], sizes = [1], strides = [1]} : vector<16xi32> to vector<1xi32>
    %squeeze3A_122 = vector.extract %slice3A_121[0] : i32 from vector<1xi32>
    %add3A_123 = arith.addi %add3A_120, %squeeze3A_122 : i32
    %slice3A_124 = vector.extract_strided_slice %while3A_74 {offsets = [12], sizes = [1], strides = [1]} : vector<16xi32> to vector<1xi32>
    %squeeze3A_125 = vector.extract %slice3A_124[0] : i32 from vector<1xi32>
    %add3A_126 = arith.addi %add3A_123, %squeeze3A_125 : i32
    %slice3A_127 = vector.extract_strided_slice %while3A_74 {offsets = [13], sizes = [1], strides = [1]} : vector<16xi32> to vector<1xi32>
    %squeeze3A_128 = vector.extract %slice3A_127[0] : i32 from vector<1xi32>
    %add3A_129 = arith.addi %add3A_126, %squeeze3A_128 : i32
    %slice3A_130 = vector.extract_strided_slice %while3A_74 {offsets = [14], sizes = [1], strides = [1]} : vector<16xi32> to vector<1xi32>
    %squeeze3A_131 = vector.extract %slice3A_130[0] : i32 from vector<1xi32>
    %add3A_132 = arith.addi %add3A_129, %squeeze3A_131 : i32
    %slice3A_133 = vector.extract_strided_slice %while3A_74 {offsets = [15], sizes = [1], strides = [1]} : vector<16xi32> to vector<1xi32>
    %squeeze3A_134 = vector.extract %slice3A_133[0] : i32 from vector<1xi32>
    %add3A_135 = arith.addi %add3A_132, %squeeze3A_134 : i32
    %add3A_136 = arith.addi %add3A_135, %select_n3A_86 : i32
    %while3A_137 = arith.constant 0 : i32
    %while3A_138 = arith.constant 0 : i32
    %while3A_139 = arith.subi %add3A_136, %while3A_137 : i32
    %while3A_140 = arith.addi %while3A_137, %while3A_139 : i32
    %while3A_141 = arith.constant 1 : i32
    %while3A_142 = arith.divsi %while3A_139, %while3A_141 : i32
    %while3A_143 = arith.muli %while3A_142, %while3A_141 : i32
    %while3A_144 = arith.addi %while3A_137, %while3A_143 : i32
    %while3A_145 = arith.constant 1 : i32
    %while3A_146 = scf.for %while3A_154 = %while3A_137 to %while3A_144 step %while3A_145 iter_args(%while3A_155 = %while3A_138) -> (i32)  : i32 {
      %add3A_156 = arith.addi %while3A_155, %mul3A_15 : i32
      %add3A_157 = arith.constant 16 : i32
      %add3A_158 = arith.addi %add3A_156, %add3A_157 : i32
      %get3A_159 = arith.index_cast %add3A_158 : i32 to index
      %get3A_160 = tpu.vector_load %arg11[%get3A_159] {strides = array<i32>} : memref<3232xi32, #tpu.memory_space<vmem>>, vector<16xi32>,
      %get3A_161 = vector.shape_cast %get3A_160 : vector<16xi32> to vector<16xi32>
      %slice3A_162 = vector.extract_strided_slice %get3A_161 {offsets = [0], sizes = [1], strides = [1]} : vector<16xi32> to vector<1xi32>
      %squeeze3A_163 = vector.extract %slice3A_162[0] : i32 from vector<1xi32>
      %add3A_164 = arith.constant 1 : i32
      %add3A_165 = arith.addi %while3A_155, %add3A_164 : i32
      %scan3A_166 = arith.constant 0 : i32
      %scan3A_167 = arith.constant 12 : i32
      %scan3A_168 = arith.addi %scan3A_166, %scan3A_167 : i32
      %scan3A_169 = arith.constant 1 : i32
      %scan3A_170:2 = scf.for %scan3A_190 = %scan3A_166 to %scan3A_168 step %scan3A_169 iter_args(%scan3A_191 = %add3A_165, %scan3A_192 = %mul3A_11) -> (i32, i32)  : i32 {
        %add3A_193 = arith.addi %scan3A_191, %scan3A_192 : i32
        %jit3A_194 = arith.constant 2 : i32
        %div3A_195 = arith.divsi %add3A_193, %jit3A_194 : i32
        %sign3A_196 = arith.constant 0 : i32
        %sign3A_197 = arith.cmpi sgt, %add3A_193, %sign3A_196 : i32
        %sign3A_198 = arith.extui %sign3A_197 : i1 to i32
        %sign3A_199 = arith.constant 0 : i32
        %sign3A_200 = arith.cmpi slt, %add3A_193, %sign3A_199 : i32
        %sign3A_201 = arith.extui %sign3A_200 : i1 to i32
        %sign3A_202 = arith.subi %sign3A_198, %sign3A_201 : i32
        %sign3A_203 = arith.constant 0 : i32
        %sign3A_204 = arith.cmpi sgt, %jit3A_194, %sign3A_203 : i32
        %sign3A_205 = arith.extui %sign3A_204 : i1 to i32
        %sign3A_206 = arith.constant 0 : i32
        %sign3A_207 = arith.cmpi slt, %jit3A_194, %sign3A_206 : i32
        %sign3A_208 = arith.extui %sign3A_207 : i1 to i32
        %sign3A_209 = arith.subi %sign3A_205, %sign3A_208 : i32
        %ne3A_210 = arith.cmpi ne, %sign3A_202, %sign3A_209 : i32
        %rem3A_211 = arith.remsi %add3A_193, %jit3A_194 : i32
        %ne3A_212 = arith.constant 0 : i32
        %ne3A_213 = arith.cmpi ne, %rem3A_211, %ne3A_212 : i32
        %and3A_214 = arith.andi %ne3A_210, %ne3A_213 : i1
        %sub3A_215 = arith.constant 1 : i32
        %sub3A_216 = arith.subi %div3A_195, %sub3A_215 : i32
        %select_n3A_217 = arith.select %and3A_214, %sub3A_216, %div3A_195 : i32
        %lt3A_218 = arith.cmpi slt, %scan3A_191, %scan3A_192 : i32
        %add3A_219 = arith.addi %select_n3A_217, %mul3A_15 : i32
        %add3A_220 = arith.constant 16 : i32
        %add3A_221 = arith.addi %add3A_219, %add3A_220 : i32
        %get3A_222 = arith.index_cast %add3A_221 : i32 to index
        %get3A_223 = tpu.vector_load %arg11[%get3A_222] {strides = array<i32>} : memref<3232xi32, #tpu.memory_space<vmem>>, vector<16xi32>,
        %get3A_224 = vector.shape_cast %get3A_223 : vector<16xi32> to vector<16xi32>
        %slice3A_225 = vector.extract_strided_slice %get3A_224 {offsets = [0], sizes = [1], strides = [1]} : vector<16xi32> to vector<1xi32>
        %squeeze3A_226 = vector.extract %slice3A_225[0] : i32 from vector<1xi32>
        %eq3A_227 = arith.cmpi eq, %squeeze3A_226, %squeeze3A_163 : i32
        %and3A_228 = arith.andi %lt3A_218, %eq3A_227 : i1
        %add3A_229 = arith.constant 1 : i32
        %add3A_230 = arith.addi %select_n3A_217, %add3A_229 : i32
        %select_n3A_231 = arith.select %and3A_228, %add3A_230, %scan3A_191 : i32
        %lt3A_232 = arith.cmpi slt, %scan3A_191, %scan3A_192 : i32
        %select_n3A_233 = arith.select %and3A_228, %scan3A_192, %select_n3A_217 : i32
        %select_n3A_234 = arith.select %lt3A_232, %select_n3A_233, %scan3A_192 : i32
        scf.yield %select_n3A_231, %select_n3A_234 : i32, i32
      }
      %scan3A_171 = arith.constant 12 : i32
      %min3A_172 = arith.constant 496 : i32
      %min3A_173 = arith.minsi %squeeze3A_163, %min3A_172 : i32
      %sub3A_174 = arith.subi %squeeze3A_163, %min3A_173 : i32
      %eq3A_175 = vector.broadcast %sub3A_174 : i32 to vector<16xi32>
      %eq3A_176 = arith.cmpi eq, %iota3A, %eq3A_175 : vector<16xi32>
      %sub3A_177 = arith.subi %scan3A_170#0, %while3A_155 : i32
      %convert_element_type3A_178 = arith.sitofp %sub3A_177 : i32 to f32
      %jit3A_179 = arith.constant 0.000000e+00 : f32
      %broadcast_in_dim3A_180 = vector.broadcast %convert_element_type3A_178 : f32 to vector<16xf32>
      %broadcast_in_dim3A_181 = vector.broadcast %jit3A_179 : f32 to vector<16xf32>
      %select_n3A_182 = arith.select %eq3A_176, %broadcast_in_dim3A_180, %broadcast_in_dim3A_181 : vector<16xi1>, vector<16xf32>
      %get3A_183 = arith.index_cast %min3A_173 : i32 to index
      %get3A_184 = tpu.vector_load %arg13[%get3A_183] {strides = array<i32>} : memref<512xf32, #tpu.memory_space<vmem>>, vector<16xf32>,
      %get3A_185 = vector.shape_cast %get3A_184 : vector<16xf32> to vector<16xf32>
      %add3A_186 = arith.addf %get3A_185, %select_n3A_182 : vector<16xf32>
      %swap3A = arith.index_cast %min3A_173 : i32 to index
      %swap3A_187 = tpu.vector_load %arg13[%swap3A] {strides = array<i32>} : memref<512xf32, #tpu.memory_space<vmem>>, vector<16xf32>,
      %swap3A_188 = vector.shape_cast %swap3A_187 : vector<16xf32> to vector<16xf32>
      %swap3A_189 = vector.shape_cast %add3A_186 : vector<16xf32> to vector<16xf32>
      tpu.vector_store %arg13[%swap3A], %swap3A_189 {strides = array<i32>} : memref<512xf32, #tpu.memory_space<vmem>>, vector<16xf32>,
      scf.yield %scan3A_170#0 : i32
    }
    %while3A_147 = arith.constant 1 : i32
    %while3A_148 = scf.for %while3A_154 = %while3A_144 to %while3A_140 step %while3A_147 iter_args(%while3A_155 = %while3A_146) -> (i32)  : i32 {
      %add3A_156 = arith.addi %while3A_155, %mul3A_15 : i32
      %add3A_157 = arith.constant 16 : i32
      %add3A_158 = arith.addi %add3A_156, %add3A_157 : i32
      %get3A_159 = arith.index_cast %add3A_158 : i32 to index
      %get3A_160 = tpu.vector_load %arg11[%get3A_159] {strides = array<i32>} : memref<3232xi32, #tpu.memory_space<vmem>>, vector<16xi32>,
      %get3A_161 = vector.shape_cast %get3A_160 : vector<16xi32> to vector<16xi32>
      %slice3A_162 = vector.extract_strided_slice %get3A_161 {offsets = [0], sizes = [1], strides = [1]} : vector<16xi32> to vector<1xi32>
      %squeeze3A_163 = vector.extract %slice3A_162[0] : i32 from vector<1xi32>
      %add3A_164 = arith.constant 1 : i32
      %add3A_165 = arith.addi %while3A_155, %add3A_164 : i32
      %scan3A_166 = arith.constant 0 : i32
      %scan3A_167 = arith.constant 12 : i32
      %scan3A_168 = arith.addi %scan3A_166, %scan3A_167 : i32
      %scan3A_169 = arith.constant 1 : i32
      %scan3A_170:2 = scf.for %scan3A_190 = %scan3A_166 to %scan3A_168 step %scan3A_169 iter_args(%scan3A_191 = %add3A_165, %scan3A_192 = %mul3A_11) -> (i32, i32)  : i32 {
        %add3A_193 = arith.addi %scan3A_191, %scan3A_192 : i32
        %jit3A_194 = arith.constant 2 : i32
        %div3A_195 = arith.divsi %add3A_193, %jit3A_194 : i32
        %sign3A_196 = arith.constant 0 : i32
        %sign3A_197 = arith.cmpi sgt, %add3A_193, %sign3A_196 : i32
        %sign3A_198 = arith.extui %sign3A_197 : i1 to i32
        %sign3A_199 = arith.constant 0 : i32
        %sign3A_200 = arith.cmpi slt, %add3A_193, %sign3A_199 : i32
        %sign3A_201 = arith.extui %sign3A_200 : i1 to i32
        %sign3A_202 = arith.subi %sign3A_198, %sign3A_201 : i32
        %sign3A_203 = arith.constant 0 : i32
        %sign3A_204 = arith.cmpi sgt, %jit3A_194, %sign3A_203 : i32
        %sign3A_205 = arith.extui %sign3A_204 : i1 to i32
        %sign3A_206 = arith.constant 0 : i32
        %sign3A_207 = arith.cmpi slt, %jit3A_194, %sign3A_206 : i32
        %sign3A_208 = arith.extui %sign3A_207 : i1 to i32
        %sign3A_209 = arith.subi %sign3A_205, %sign3A_208 : i32
        %ne3A_210 = arith.cmpi ne, %sign3A_202, %sign3A_209 : i32
        %rem3A_211 = arith.remsi %add3A_193, %jit3A_194 : i32
        %ne3A_212 = arith.constant 0 : i32
        %ne3A_213 = arith.cmpi ne, %rem3A_211, %ne3A_212 : i32
        %and3A_214 = arith.andi %ne3A_210, %ne3A_213 : i1
        %sub3A_215 = arith.constant 1 : i32
        %sub3A_216 = arith.subi %div3A_195, %sub3A_215 : i32
        %select_n3A_217 = arith.select %and3A_214, %sub3A_216, %div3A_195 : i32
        %lt3A_218 = arith.cmpi slt, %scan3A_191, %scan3A_192 : i32
        %add3A_219 = arith.addi %select_n3A_217, %mul3A_15 : i32
        %add3A_220 = arith.constant 16 : i32
        %add3A_221 = arith.addi %add3A_219, %add3A_220 : i32
        %get3A_222 = arith.index_cast %add3A_221 : i32 to index
        %get3A_223 = tpu.vector_load %arg11[%get3A_222] {strides = array<i32>} : memref<3232xi32, #tpu.memory_space<vmem>>, vector<16xi32>,
        %get3A_224 = vector.shape_cast %get3A_223 : vector<16xi32> to vector<16xi32>
        %slice3A_225 = vector.extract_strided_slice %get3A_224 {offsets = [0], sizes = [1], strides = [1]} : vector<16xi32> to vector<1xi32>
        %squeeze3A_226 = vector.extract %slice3A_225[0] : i32 from vector<1xi32>
        %eq3A_227 = arith.cmpi eq, %squeeze3A_226, %squeeze3A_163 : i32
        %and3A_228 = arith.andi %lt3A_218, %eq3A_227 : i1
        %add3A_229 = arith.constant 1 : i32
        %add3A_230 = arith.addi %select_n3A_217, %add3A_229 : i32
        %select_n3A_231 = arith.select %and3A_228, %add3A_230, %scan3A_191 : i32
        %lt3A_232 = arith.cmpi slt, %scan3A_191, %scan3A_192 : i32
        %select_n3A_233 = arith.select %and3A_228, %scan3A_192, %select_n3A_217 : i32
        %select_n3A_234 = arith.select %lt3A_232, %select_n3A_233, %scan3A_192 : i32
        scf.yield %select_n3A_231, %select_n3A_234 : i32, i32
      }
      %scan3A_171 = arith.constant 12 : i32
      %min3A_172 = arith.constant 496 : i32
      %min3A_173 = arith.minsi %squeeze3A_163, %min3A_172 : i32
      %sub3A_174 = arith.subi %squeeze3A_163, %min3A_173 : i32
      %eq3A_175 = vector.broadcast %sub3A_174 : i32 to vector<16xi32>
      %eq3A_176 = arith.cmpi eq, %iota3A, %eq3A_175 : vector<16xi32>
      %sub3A_177 = arith.subi %scan3A_170#0, %while3A_155 : i32
      %convert_element_type3A_178 = arith.sitofp %sub3A_177 : i32 to f32
      %jit3A_179 = arith.constant 0.000000e+00 : f32
      %broadcast_in_dim3A_180 = vector.broadcast %convert_element_type3A_178 : f32 to vector<16xf32>
      %broadcast_in_dim3A_181 = vector.broadcast %jit3A_179 : f32 to vector<16xf32>
      %select_n3A_182 = arith.select %eq3A_176, %broadcast_in_dim3A_180, %broadcast_in_dim3A_181 : vector<16xi1>, vector<16xf32>
      %get3A_183 = arith.index_cast %min3A_173 : i32 to index
      %get3A_184 = tpu.vector_load %arg13[%get3A_183] {strides = array<i32>} : memref<512xf32, #tpu.memory_space<vmem>>, vector<16xf32>,
      %get3A_185 = vector.shape_cast %get3A_184 : vector<16xf32> to vector<16xf32>
      %add3A_186 = arith.addf %get3A_185, %select_n3A_182 : vector<16xf32>
      %swap3A = arith.index_cast %min3A_173 : i32 to index
      %swap3A_187 = tpu.vector_load %arg13[%swap3A] {strides = array<i32>} : memref<512xf32, #tpu.memory_space<vmem>>, vector<16xf32>,
      %swap3A_188 = vector.shape_cast %swap3A_187 : vector<16xf32> to vector<16xf32>
      %swap3A_189 = vector.shape_cast %add3A_186 : vector<16xf32> to vector<16xf32>
      tpu.vector_store %arg13[%swap3A], %swap3A_189 {strides = array<i32>} : memref<512xf32, #tpu.memory_space<vmem>>, vector<16xf32>,
      scf.yield %scan3A_170#0 : i32
    }
    "tpu.region"() ({
      %run_scoped3A = tpu.sem_alloc : memref<!tpu.dma_semaphore, #tpu.memory_space<semaphore_mem>>
      %dma_start3A = arith.constant 0 : i32
      %dma_start3A_154 = tpu.memref_slice %arg8[%arg0, %arg1, %dma_start3A] : memref<2x16x512xf32, #tpu.memory_space<hbm>> -> memref<1x1x512xf32, #tpu.memory_space<hbm>>
      %dma_start3A_155 = tpu.memref_squeeze %dma_start3A_154 : memref<1x1x512xf32, #tpu.memory_space<hbm>> -> memref<512xf32, #tpu.memory_space<hbm>>
      %dma_start3A_156 = arith.constant 0 : i32
      %dma_start3A_157 = tpu.memref_slice %arg8[%arg0, %arg1, %dma_start3A_156] : memref<2x16x512xf32, #tpu.memory_space<hbm>> -> memref<1x1x512xf32, #tpu.memory_space<hbm>>
      %dma_start3A_158 = tpu.memref_squeeze %dma_start3A_157 : memref<1x1x512xf32, #tpu.memory_space<hbm>> -> memref<512xf32, #tpu.memory_space<hbm>>
      tpu.enqueue_dma source(%arg13 : memref<512xf32, #tpu.memory_space<vmem>>) target(%dma_start3A_158 : memref<512xf32, #tpu.memory_space<hbm>>) target_semaphore(%run_scoped3A : memref<!tpu.dma_semaphore, #tpu.memory_space<semaphore_mem>>)
      %dma_wait3A = arith.constant 0 : i32
      %dma_wait3A_159 = tpu.memref_slice %arg8[%arg0, %arg1, %dma_wait3A] : memref<2x16x512xf32, #tpu.memory_space<hbm>> -> memref<1x1x512xf32, #tpu.memory_space<hbm>>
      %dma_wait3A_160 = tpu.memref_squeeze %dma_wait3A_159 : memref<1x1x512xf32, #tpu.memory_space<hbm>> -> memref<512xf32, #tpu.memory_space<hbm>>
      %dma_wait3A_161 = arith.constant 0 : i32
      %dma_wait3A_162 = tpu.memref_slice %arg8[%arg0, %arg1, %dma_wait3A_161] : memref<2x16x512xf32, #tpu.memory_space<hbm>> -> memref<1x1x512xf32, #tpu.memory_space<hbm>>
      %dma_wait3A_163 = tpu.memref_squeeze %dma_wait3A_162 : memref<1x1x512xf32, #tpu.memory_space<hbm>> -> memref<512xf32, #tpu.memory_space<hbm>>
      tpu.wait_dma2 semaphore(%run_scoped3A : memref<!tpu.dma_semaphore, #tpu.memory_space<semaphore_mem>>) src(%arg13 : memref<512xf32, #tpu.memory_space<vmem>>) dst(%dma_wait3A_163 : memref<512xf32, #tpu.memory_space<hbm>>)
      tpu.yield
    }) : () -> ()
    %barrier3A_149 = arith.constant 0 : index
    tpu.barrier barrier_id(%barrier3A_149)
    %mul3A_150 = arith.constant 32 : i32
    %mul3A_151 = arith.muli %arg1, %mul3A_150 : i32
    %mul3A_152 = arith.constant 32 : i32
    %mul3A_153 = arith.muli %arg1, %mul3A_152 : i32
    "tpu.region"() ({
      %run_scoped3A = tpu.sem_alloc : memref<!tpu.dma_semaphore, #tpu.memory_space<semaphore_mem>>
      %dma_start3A = arith.constant 0 : i32
      %dma_start3A_154 = tpu.memref_slice %arg7[%arg0, %mul3A_153, %dma_start3A] : memref<2x512x128xf32, #tpu.memory_space<hbm>> -> memref<1x32x128xf32, #tpu.memory_space<hbm>>
      %dma_start3A_155 = tpu.memref_squeeze %dma_start3A_154 : memref<1x32x128xf32, #tpu.memory_space<hbm>> -> memref<32x128xf32, #tpu.memory_space<hbm>>
      %dma_start3A_156 = arith.constant 0 : i32
      %dma_start3A_157 = tpu.memref_slice %arg14[%mul3A_151, %dma_start3A_156] : memref<512x128xf32, #tpu.memory_space<vmem_shared>> -> memref<32x128xf32, #tpu.memory_space<vmem_shared>>
      tpu.enqueue_dma source(%dma_start3A_157 : memref<32x128xf32, #tpu.memory_space<vmem_shared>>) target(%dma_start3A_155 : memref<32x128xf32, #tpu.memory_space<hbm>>) target_semaphore(%run_scoped3A : memref<!tpu.dma_semaphore, #tpu.memory_space<semaphore_mem>>)
      %dma_wait3A = arith.constant 0 : i32
      %dma_wait3A_158 = tpu.memref_slice %arg7[%arg0, %mul3A_153, %dma_wait3A] : memref<2x512x128xf32, #tpu.memory_space<hbm>> -> memref<1x32x128xf32, #tpu.memory_space<hbm>>
      %dma_wait3A_159 = tpu.memref_squeeze %dma_wait3A_158 : memref<1x32x128xf32, #tpu.memory_space<hbm>> -> memref<32x128xf32, #tpu.memory_space<hbm>>
      %dma_wait3A_160 = arith.constant 0 : i32
      %dma_wait3A_161 = tpu.memref_slice %arg14[%mul3A_151, %dma_wait3A_160] : memref<512x128xf32, #tpu.memory_space<vmem_shared>> -> memref<32x128xf32, #tpu.memory_space<vmem_shared>>
      tpu.wait_dma2 semaphore(%run_scoped3A : memref<!tpu.dma_semaphore, #tpu.memory_space<semaphore_mem>>) src(%dma_wait3A_161 : memref<32x128xf32, #tpu.memory_space<vmem_shared>>) dst(%dma_wait3A_159 : memref<32x128xf32, #tpu.memory_space<hbm>>)
      tpu.yield
    }) : () -> ()
    return
  }
}

module attributes {stable_mosaic.version = 14 : i64} {
  func.func @_head_body(%arg0: memref<2x512x128xf32, #tpu.memory_space<vmem>>, %arg1: memref<2x16x512xf32, #tpu.memory_space<vmem>>, %arg2: memref<128x128xf32, #tpu.memory_space<vmem>>, %arg3: memref<1x128xf32, #tpu.memory_space<vmem>>, %arg4: memref<512x128xf32, #tpu.memory_space<vmem>>) attributes {dimension_semantics = [], scalar_prefetch = 0 : i64, scratch_operands = 0 : i64, tpu.core_type = #tpu.core_type<tc>} {
    %get3A = arith.constant 0 : index
    %get3A_0 = arith.constant 0 : index
    %get3A_1 = arith.constant 0 : index
    %get3A_2 = vector.load %arg0[%get3A, %get3A_0, %get3A_1] : memref<2x512x128xf32, #tpu.memory_space<vmem>>, vector<1x512x128xf32>
    %get3A_3 = vector.shape_cast %get3A_2 : vector<1x512x128xf32> to vector<512x128xf32>
    %get3A_4 = arith.constant 1 : index
    %get3A_5 = arith.constant 0 : index
    %get3A_6 = arith.constant 0 : index
    %get3A_7 = vector.load %arg0[%get3A_4, %get3A_5, %get3A_6] : memref<2x512x128xf32, #tpu.memory_space<vmem>>, vector<1x512x128xf32>
    %get3A_8 = vector.shape_cast %get3A_7 : vector<1x512x128xf32> to vector<512x128xf32>
    %add3A = arith.addf %get3A_3, %get3A_8 : vector<512x128xf32>
    %get3A_9 = arith.constant 0 : index
    %get3A_10 = arith.constant 0 : index
    %get3A_11 = arith.constant 0 : index
    %get3A_12 = vector.load %arg1[%get3A_9, %get3A_10, %get3A_11] : memref<2x16x512xf32, #tpu.memory_space<vmem>>, vector<2x16x512xf32>
    %reduce_sum3A = arith.constant dense<0.000000e+00> : vector<512xf32>
    %reduce_sum3A_13 = vector.multi_reduction <add>, %get3A_12, %reduce_sum3A [0, 1] : vector<2x16x512xf32> to vector<512xf32>
    %reshape3A = vector.shape_cast %reduce_sum3A_13 : vector<512xf32> to vector<512x1xf32>
    %max3A = arith.constant 1.000000e+00 : f32
    %max3A_14 = vector.broadcast %max3A : f32 to vector<512x1xf32>
    %max3A_15 = arith.maximumf %reshape3A, %max3A_14 : vector<512x1xf32>
    %div3A = vector.broadcast %max3A_15 : vector<512x1xf32> to vector<512x128xf32>
    %div3A_16 = arith.divf %add3A, %div3A : vector<512x128xf32>
    %get3A_17 = arith.constant 0 : index
    %get3A_18 = arith.constant 0 : index
    %get3A_19 = vector.load %arg2[%get3A_17, %get3A_18] : memref<128x128xf32, #tpu.memory_space<vmem>>, vector<128x128xf32>
    %dot_general3A = arith.constant dense<0.000000e+00> : vector<512x128xf32>
    %dot_general3A_20 = tpu.matmul %div3A_16, %get3A_19, %dot_general3A {dimension_numbers = #tpu.dot_dimension_numbers<[1], [1], [0], [0], [0, 0, 1, 0], [], []>, transpose_lhs_hint = false} : vector<512x128xf32>, vector<128x128xf32>, vector<512x128xf32> -> vector<512x128xf32>
    %get3A_21 = arith.constant 0 : index
    %get3A_22 = arith.constant 0 : index
    %get3A_23 = vector.load %arg3[%get3A_21, %get3A_22] : memref<1x128xf32, #tpu.memory_space<vmem>>, vector<1x128xf32>
    %add3A_24 = vector.broadcast %get3A_23 : vector<1x128xf32> to vector<512x128xf32>
    %add3A_25 = arith.addf %dot_general3A_20, %add3A_24 : vector<512x128xf32>
    %swap3A = arith.constant 0 : index
    %swap3A_26 = arith.constant 0 : index
    %swap3A_27 = vector.load %arg4[%swap3A, %swap3A_26] : memref<512x128xf32, #tpu.memory_space<vmem>>, vector<512x128xf32>
    tpu.vector_store %arg4[%swap3A, %swap3A_26], %add3A_25 {strides = array<i32>} : memref<512x128xf32, #tpu.memory_space<vmem>>, vector<512x128xf32>,
    return
  }
}

</mosaic_0001>

<sc_bundles>
// kernel: kernel.4.cloned.1.call-start
scs
__scs_entry_jumppad:
0x0: {  	(pc) =	sbr.rel $0x88, $3  }
0x1: {  	(tag) =	ssettag $0x0;
	lr =	simm.s32 $0x1  }
0x2: {  	[smem:$0x3F9D] =	sst lr;
	_ =	strace $0xD0000000  }
0x3: {  	_ = 	snop  }
0x4: {  	_ = 	snop  }
0x5: {  	_ = 	snop  }
0x6: {  	_ = 	snop  }
0x7: {  	_ = 	snop  }
__scs_overlays_trampoline_lowered:
0x8: {  	[smem:$0x3FAC] =	sst s0  }
0x9: {  	[smem:$0x3FAD] =	sst s1  }
0xa: {  	[smem:$0x3FAE] =	sst s2  }
0xb: {  	[smem:$0x3FAF] =	sst s3  }
0xc: {  	[smem:$0x3FB0] =	sst s4  }
0xd: {  	[smem:$0x3FB1] =	sst s5  }
0xe: {  	[smem:$0x3FB2] =	sst s6  }
0xf: {  	[smem:$0x3FB3] =	sst s7  }
0x10: {  	[smem:$0x3FB4] =	sst s8  }
0x11: {  	[smem:$0x3FB5] =	sst s9;
	s0 =	simm.s32 @!p0 $0x0  }
0x12: {  	s1 =	sld [smem:$0x3F9B];
	s0 =	simm.s32 @p0 $0x1  }
0x13: {  	[smem:$0x3FB6] =	sst s0;
	s0 =	simm.s32 @!p1 $0x0  }
0x14: {  	s2 =	sld [smem:$0x3F9A];
	s0 =	simm.s32 @p1 $0x1  }
0x15: {  	[smem:$0x3FB7] =	sst s0;
	s0 =	simm.s32 @!p2 $0x0  }
0x16: {  	s3 =	sld [smem:$0x3FDB];
	s0 =	simm.s32 @p2 $0x1  }
0x17: {  	s4 =	simm.s32 $0x1BF5;
	[smem:$0x3FB9] =	sst s0  }
0x18: {  	s0 =	sld [smem:$0x3F9C];
	_ =	swait.ge [sflag:s4], $0x0  }
0x19: {  	s7 =	sld [smem:$0x3F9D]  }
0x1a: {  	s8 =	sadd.s32 $0xFFFFE003, lr  }
0x1b: {  	s9 =	sadd.s32 $0xFFFFFEF7, lr;
	s5 =	simm.s32 $0xFFFFFFFF;
	p2 =	slt.u32 s8, $0xFFFFF086  }
0x1c: {  	p1 =	slt.u32 s9, $0xF7A;
	s5 =	simm.s32 @!p2 $0x0  }
0x1d: {  	s5 =	simm.s32 @p1 $0x1;
	p0 =	seq.s32 s7, s2  }
0x1e: {  	s7 =	smul.u32 @!p0 $0xF7A, s2;
	p2 =	seq.s32 @!p0 s5, $0x0  }
0x1f: {  	s9 =	smul.u32 $0xF7A, s1;
	s8 =	simm.s32 @!p0 $0x1BF5;
	p2 =	por !p2, p0  }
0x20: {  	[sflag:s8] =	ssyncset.s32 @!p0 $0xFFFFF086;
	s6 =	sadd.s32 @!p0 s3, s7;
	s7 =	simm.s32 @!p0 $0x108  }
0x21: {  	s3 =	sadd.s32 s3, s9;
	s6 =	sadd.s32 @!p0 $0x88, s6;
	s7 =	simm.s32 @p2 $0x1082  }
0x22: {  	[simem:s7], [sflag:s8] =	dma.local @!p0 [hbm:s6], $0xF7A  }
0x23: {  	s9 =	sor.u32 $0xD0000000, s2;
	s6 =	simm.s32 $0x108;
	_ =	swait.ge @!p0 [sflag:s8], $0x0  }
0x24: {  	s3 =	sadd.s32 $0x88, s3;
	s6 =	simm.s32 @!p1 $0x1082;
	[sflag:s4] =	ssyncset.s32 $0xFFFFF086  }
0x25: {  	[simem:s6], [sflag:s4] =	dma.local [hbm:s3], $0xF7A  }
0x26: {  	[smem:$0x3F9D] =	sst s1;
	(tag) =	ssettag s2;
	_ =	strace s9  }
0x27: {  	s1 =	sld [smem:$0x3FAD]  }
0x28: {  	s2 =	sld [smem:$0x3FAE]  }
0x29: {  	s4 =	sld [smem:$0x3FB0]  }
0x2a: {  	p0 =	seq.s32 s5, $0x0;
	s5 =	sld [smem:$0x3FB1]  }
0x2b: {  	s6 =	sld [smem:$0x3FB2]  }
0x2c: {  	s7 =	sld [smem:$0x3FB3]  }
0x2d: {  	s3 =	simm.s32 $0x108;
	s8 =	sld [smem:$0x3FB4]  }
0x2e: {  	s3 =	simm.s32 @!p0 $0x1082;
	s9 =	sld [smem:$0x3FB5]  }
0x2f: {  	lr =	sadd.s32 s0, s3;
	s0 =	sld [smem:$0x3FAC]  }
0x30: {  	s3 =	sld [smem:$0x3FAF]  }
0x31: {  	[smem:$0x3FB8] =	sst s10  }
0x32: {  	s10 =	sld [smem:$0x3FB6];
	_ =	sdelay $0x3  }
0x33: {  	p0 =	seq.s32 s10, $0x1;
	s10 =	sld [smem:$0x3FB8];
	_ =	sdelay $0x3  }
0x34: {  	[smem:$0x3FB8] =	sst s10  }
0x35: {  	s10 =	sld [smem:$0x3FB7];
	_ =	sdelay $0x3  }
0x36: {  	p1 =	seq.s32 s10, $0x1;
	s10 =	sld [smem:$0x3FB8];
	_ =	sdelay $0x3  }
0x37: {  	[smem:$0x3FB8] =	sst s10  }
0x38: {  	s10 =	sld [smem:$0x3FB9]  }
0x39: {  	_ = 	snop;
	(pc) =	sbr.ind lr, $3  }
0x3a: {  	_ = 	snop  }
0x3b: {  	_ = 	snop  }
0x3c: {  	p2 =	seq.s32 s10, $0x1;
	s10 =	sld [smem:$0x3FB8]  }
0x3d: {  	_ =	shalt  }
0x3e: {  	_ =	shalt  }
0x3f: {  	_ =	shalt  }
0x40: {  	_ =	shalt  }
0x41: {  	_ =	shalt  }
0x42: {  	_ =	shalt  }
0x43: {  	_ =	shalt  }
0x44: {  	_ =	shalt  }
0x45: {  	_ =	shalt  }
0x46: {  	_ =	shalt  }
0x47: {  	_ =	shalt  }
0x48: {  	_ =	shalt  }
0x49: {  	_ =	shalt  }
0x4a: {  	_ =	shalt  }
0x4b: {  	_ =	shalt  }
0x4c: {  	_ =	shalt  }
0x4d: {  	_ =	shalt  }
0x4e: {  	_ =	shalt  }
0x4f: {  	_ =	shalt  }
0x50: {  	_ =	shalt  }
0x51: {  	_ =	shalt  }
0x52: {  	_ =	shalt  }
0x53: {  	_ =	shalt  }
0x54: {  	_ =	shalt  }
0x55: {  	_ =	shalt  }
0x56: {  	_ =	shalt  }
0x57: {  	_ =	shalt  }
0x58: {  	_ =	shalt  }
0x59: {  	_ =	shalt  }
0x5a: {  	_ =	shalt  }
0x5b: {  	_ =	shalt  }
0x5c: {  	_ =	shalt  }
0x5d: {  	_ =	shalt  }
0x5e: {  	_ =	shalt  }
0x5f: {  	_ =	shalt  }
0x60: {  	_ =	shalt  }
0x61: {  	_ =	shalt  }
0x62: {  	_ =	shalt  }
0x63: {  	_ =	shalt  }
0x64: {  	_ =	shalt  }
0x65: {  	_ =	shalt  }
0x66: {  	_ =	shalt  }
0x67: {  	_ =	shalt  }
0x68: {  	_ =	shalt  }
0x69: {  	_ =	shalt  }
0x6a: {  	_ =	shalt  }
0x6b: {  	_ =	shalt  }
0x6c: {  	_ =	shalt  }
0x6d: {  	_ =	shalt  }
0x6e: {  	_ =	shalt  }
0x6f: {  	_ =	shalt  }
0x70: {  	_ =	shalt  }
0x71: {  	_ =	shalt  }
0x72: {  	_ =	shalt  }
0x73: {  	_ =	shalt  }
0x74: {  	_ =	shalt  }
0x75: {  	_ =	shalt  }
0x76: {  	_ =	shalt  }
0x77: {  	_ =	shalt  }
0x78: {  	_ =	shalt  }
0x79: {  	_ =	shalt  }
0x7a: {  	_ =	shalt  }
0x7b: {  	_ =	shalt  }
0x7c: {  	_ =	shalt  }
0x7d: {  	_ =	shalt  }
0x7e: {  	_ =	shalt  }
0x7f: {  	_ =	shalt  }
0x80: {  	_ =	shalt  }
0x81: {  	_ =	shalt  }
0x82: {  	_ =	shalt  }
0x83: {  	_ =	shalt  }
0x84: {  	_ =	shalt  }
0x85: {  	_ =	shalt  }
0x86: {  	_ =	shalt  }
0x87: {  	_ =	shalt  }
.Lfunc_end0:
.L_simem_size_0:
called_computation_lowered:
.L_overlay_start_0:
0x88: {  	s2 =	sld [smem:$0x3FD9]  }
0x89: {  	s3 =	sld [smem:$0x3FFE];
	_ =	sdelay $0x1  }
0x8a: {  	s1 =	srdreg.scid  }
0x8b: {  	s0 =	sand.u32 $0x1, s1  }
0x8c: {  	s17 =	sshll.u32 s0, $0xA;
	s2 =	sadd.s32 s3, s2  }
0x8d: {  	s2 =	sadd.s32 s2, s17  }
0x8e: {  	[smem:$0x3FC4] =	sst s2  }
0x8f: {  	_ = 	snop  }
0x90: {  	s2 =	sld [smem:$0x3FC9]  }
0x91: {  	s18 =	sld [smem:$0x3FC8]  }
0x92: {  	s4 =	sld [smem:$0x3FD0];
	(tm) =	ssettm $0x1  }
0x93: {  	s5 =	sld [smem:$0x3FFB];
	_ =	sdelay $0x3  }
0x94: {  	_ =	strace s5  }
0x95: {  	s5 =	sld [smem:$0x3FFC];
	_ =	sdelay $0x3  }
0x96: {  	_ =	strace s5  }
0x97: {  	s5 =	sld [smem:$0x3FFD];
	_ =	sdelay $0x3  }
0x98: {  	_ =	strace s5  }
0x99: {  	_ =	strace $0x8FFFFFFF  }
0x9a: {  	s19 =	sld [smem:$0x3FDB];
	_ =	sdelay $0x1  }
0x9b: {  	s6 =	simm.s32 $_scs_section_size  }
0x9c: {  	s7 =	simm.s32 $_size__tile_overlayer_lowered;
	s8 =	simm.s32 $_tile_overlayer_lowered  }
0x9d: {  	s22 =	simm.s32 $0x1BFF;
	s21 =	sshll.u32 s8, $0x1;
	s5 =	sadd.s32 s6, s19  }
0x9e: {  	s9 =	simm.s32 $0x0;
	s20 =	sshll.u32 s7, $0x1;
	s7 =	sadd.s32 s21, s5  }
0x9f: {  	[timem:s9], [sflag:s22] =	dma.local [hbm:s7], s20  }
0xa0: {  	_ =	swait.ge [sflag:s22], s20  }
0xa1: {  	s6 =	ssub.s32 $0x0, s20;
	[sflag:s22] =	ssyncset.done $0x0  }
0xa2: {  	[sflag:s22] =	ssyncadd.s32 s6;
	_ =	sdelay $0x1  }
0xa3: {  	s23 =	simm.s32 $0x1B8B  }
0xa4: {  	_ =	swait.ge [sflag:s23], $0x1  }
0xa5: {  	[sflag:s23] =	ssyncset.done $0x0  }
0xa6: {  	s25 =	simm.s32 $0x1B8E;
	s24 =	sld [smem:$0x3FFE];
	[sflag:s23] =	ssyncadd.s32 $0xFFFFFFFF  }
0xa7: {  	s26 =	simm.s32 $execute0_lowered;
	[smem:$0x3FD2] =	sst s25  }
0xa8: {  	s7 =	sshll.u32 s26, $0x1;
	_ =	strace $0x80000046;
	[dreg:$0x1] =	wrdreg $0xFFFFFFFF  }
0xa9: {  	s28 =	simm.s32 $_size_execute0_lowered;
	s5 =	sadd.s32 s5, s7;
	[dreg:$0x0] =	wrdreg $0x0  }
0xaa: {  	s7 =	sshll.u32 s28, $0x1;
	[dreg:$0x2] =	wrdreg s5  }
0xab: {  	[dreg:$0x3] =	wrdreg s7  }
0xac: {  	[dreg:$0x4] =	wrdreg $0xC0  }
0xad: {  	_ =	task [dreg:s9], $0x5FFFF  }
0xae: {  	[dreg:$0x1] =	wrdreg $0xFFFFFFFF  }
0xaf: {  	[dreg:$0x0] =	wrdreg $0x60  }
0xb0: {  	[dreg:$0x2] =	wrdreg s2  }
0xb1: {  	[dreg:$0x3] =	wrdreg s24  }
0xb2: {  	[dreg:$0x4] =	wrdreg s18  }
0xb3: {  	[dreg:$0x5] =	wrdreg s4  }
0xb4: {  	[dreg:$0x6] =	wrdreg $0x1C3000  }
0xb5: {  	[dreg:$0x7] =	wrdreg $0x9  }
0xb6: {  	_ =	task.clear_ibuf [dreg:s9], $0x8FFFF;
	_ =	strace $0x90000046  }
0xb7: {  	s29 =	simm.s32 $0x9;
	_ =	strace $0x80000048  }
0xb8: {  	_ =	swait.ge [sflag:s29], $0x1  }
0xb9: {  	[sflag:s29] =	ssyncadd.s32 $0xFFFFFFFF  }
0xba: {  	_ =	strace $0x90000048  }
0xbb: {  	_ =	sfence  }
0xbc: {  	s30 =	sld [smem:$0x0];
	_ =	sdelay $0x2  }
0xbd: {  	s31 =	sshll.u32 s1, $0xD;
	s1 =	sshrl.u32 s1, $0x2  }
0xbe: {  	s3 =	sand.u32 $0x4000, s31;
	s1 =	sadd.s32 s1, s30  }
0xbf: {  	s0 =	sor.u32 s3, s0;
	s1 =	sshll.u32 s1, $0x11  }
0xc0: {  	s0 =	sor.u32 s1, s0  }
0xc1: {  	s0 =	sadd.s32 $0x8F2B, s0  }
0xc2: {  	[sflag:s0] =	ssyncadd.remote.s32 $0x1  }
0xc3: {  	_ =	sfence.sel $0xFFFF  }
0xc4: {  	[dreg:$0x0] =	wrdreg $0xFFFFFFFF;
	(pc) =	sbr.abs _section_cstart, $3  }
0xc5: {  	[dreg:$0x1] =	wrdreg $0xFFFFFFFF  }
0xc6: {  	_ =	task.clear_ibuf [dreg:s9], $0x2FFFF;
	_ =	strace $0x9FFFFFFF  }
0xc7: {  	(tm) =	ssettm $0x7FFFFFFF  }
tec
execute0_lowered:
.L_overlay_start_1:
0x0: {  	(tag) =	ssettag $0x1  }
0x1: {  	s4 =	rddreg [dreg:$0x0]  }
0x2: {  	s6 =	rddreg [dreg:$0x1]  }
0x3: {  	s9 =	rddreg [dreg:$0x2]  }
0x4: {  	s0 =	srdreg.scid;
	s10 =	rddreg [dreg:$0x3]  }
0x5: {  	s20 =	stileid.u32;
	s2 =	rddreg [dreg:$0x4]  }
0x6: {  	s29 =	simm.s32 $0x1;
	s30 =	simm.s32 $0x50;
	s31 =	simm.s32 $0x6  }
0x7: {  	s1 =	sand.u32 $0x1, s0;
	s19 =	sshll.u32 s20, $0x1;
	s21 =	sadd.s32 $0x6200, s6  }
0x8: {  	s22 =	sshll.u32 s20, $0x9;
	s14 =	sadd.s32 $0x6000, s6;
	s25 =	smul.u32 $0x9800, s20  }
0x9: {  	s15 =	sshll.u32 s20, $0xC;
	s17 =	sshll.u32 s20, $0x6;
	s26 =	smul.u32 $0x26, s20  }
0xa: {  	s0 =	sor.u32 s1, s19;
	s8 =	ssub.s32 $0x2, s1;
	s23 =	sadd.s32 s22, s6  }
0xb: {  	s16 =	sshll.u32 s1, $0xA;
	s19 =	sshll.u32 s20, $0x4;
	s3 =	smul.u32 $0x13, s0  }
0xc: {  	s22 =	smul.u32 $0x4C00, s1;
	s5 =	smin.u32 s0, $0x11;
	s24 =	sshrl.u32 s8, $0x1  }
0xd: {  	p0 =	slt.u32 s0, $0x11;
	s11 =	sadd.s32 s5, s3;
	s3 =	simm.s32 $0x0  }
0xe: {  	s10 =	sadd.s32 s10, s16;
	s12 =	smin.u32 s11, $0x25D;
	[smem:$0x7FF] =	sst s3  }
0xf: {  	s18 =	ssub.s32 s8, s24;
	s7 =	sshll.u32 s12, $0x5;
	_ =	strace $0x80000047  }
0x10: {  	[dreg:$0x9] =	wrdreg s17;
	s17 =	sand.u32 $0x200, s17;
	s13 =	sadd.s32 s7, s6  }
0x11: {  	s7 =	sadd.s32 s15, s2;
	s15 =	ssub.s32 s11, s12;
	s12 =	smul.u32 $0x14, s12  }
0x12: {  	s10 =	sadd.s32 s17, s10;
	s17 =	sadd.s32 s26, s5;
	s26 =	smul.u32 $0x17C00, s20  }
0x13: {  	s24 =	sshll.u32 s5, $0xA;
	s6 =	simm.s32 $0x14;
	s5 =	smul.u32 $0xA00, s5  }
0x14: {  	s19 =	sand.u32 $0x70, s19;
	s6 =	simm.s32 @!p0 $0x13;
	s15 =	smul.u32 $0x280, s15  }
0x15: {  	[dreg:$0x7] =	wrdreg s21;
	s21 =	sshll.u32 s1, $0xD;
	s8 =	smul.u32 $0xA0, s6  }
0x16: {  	s9 =	sadd.s32 s9, s12;
	s12 =	sadd.s32 s19, s10;
	s19 =	smul.u32 $0x13, s1  }
0x17: {  	s28 =	simm.s32 $0x0;
	s10 =	sadd.s32 s21, s23;
	s23 =	smul.u32 $0xA00, s11  }
0x18: {  	[dreg:$0x8] =	wrdreg s14;
	s13 =	sadd.s32 $0x1000, s13;
	s11 =	smul.u32 $0x5000, s11  }
0x19: {  	p0 =	sgt.u32 s0, $0x10;
	[dreg:$0xc] =	wrdreg s13;
	s16 =	smul.u32 $0xA, s6  }
0x1a: {  	s0 =	simm.s32 $0x9;
	s1 =	smul.u32 $0xBE00, s1;
	[dreg:$0xa] =	wrdreg s9  }
0x1b: {  	[dreg:$0xb] =	wrdreg s12;
	s12 =	sadd.s32 s22, s25;
	s10 =	sadd.s32 $0x6400, s10  }
0x1c: {  	s9 =	sadd.s32 s19, s17;
	s12 =	sadd.s32 s24, s12;
	s14 =	sadd.s32 s4, s23  }
0x1d: {  	s11 =	sshrl.u32 s11, $0x3;
	[dreg:$0xe] =	wrdreg s16;
	s16 =	sshra.s32 s15, $0x2  }
0x1e: {  	[dreg:$0x10] =	wrdreg s10;
	s23 =	smax.u32 s18, $0x1;
	s17 =	smin.u32 s9, $0x25D  }
0x1f: {  	[dreg:$0xd] =	wrdreg s14;
	s11 =	sadd.s32 s4, s11;
	s4 =	sadd.s32 s26, s4  }
0x20: {  	s20 =	sadd.s32 $0x1A400, s16;
	[dreg:$0x11] =	wrdreg s23;
	s26 =	simm.s32 $0x2800  }
0x21: {  	s23 =	simm.s32 $0xB;
	s25 =	sshll.u32 s17, $0xA;
	s11 =	sadd.s32 $0xA00, s11  }
.Ltmp0:
0x22: {  	s9 =	ssub.s32 s9, s17;
	s1 =	sadd.s32 s1, s4;
	(pc) =	sbr.rel .LBB2_1-.Ltmp0, $4  }
0x23: {  	[dreg:$0x6] =	wrdreg s26;
	s12 =	ssub.s32 s12, s25;
	s22 =	smul.u32 $0x280, s9  }
0x24: {  	[dreg:$0xf] =	wrdreg s11;
	s1 =	sadd.s32 s5, s1;
	s24 =	sshra.s32 s12, $0x2  }
0x25: {  	s10 =	sadd.s32 $0x3C00, s1;
	s12 =	simm.s32 $0x1C100;
	s25 =	sshra.s32 s22, $0x2  }
0x26: {  	v1 =	vimm.s32 $0x0;
	v2 =	vlaneseq.u32;
	v0 =	vmov s20;
	s1 =	simm.s32 $0x8;
	s19 =	sadd.s32 $0x19000, s24;
	s21 =	sadd.s32 $0x1A410, s25  }
.LBB2_9:
0x27: {  	s4 =	rddreg [dreg:$0xb]  }
0x28: {  	s12 =	simm.s32 $0x1C100;
	s5 =	simm.s32 $0x80;
	s7 =	simm.s32 $0x400  }
0x29: {  	[hbm4b:s4+s5] =	stream.strided.scatter [tilespmem:s12], [sflag:$0xB], $0x200, s7, s5, $0x38;
	[tilespmem:$0x1D300] =	vst v63  }
0x2a: {  	_ =	swait.ge [sflag:s23], $0x200  }
0x2b: {  	[sflag:s23] =	ssyncset.done $0x0  }
0x2c: {  	[sflag:s23] =	ssyncadd.s32 $0xFFFFFE00  }
0x2d: {  	[bflag:$0x0] =	sbarrier.arrive $0xFFFF  }
0x2e: {  	s24 =	rddreg [dreg:$0x9]  }
0x2f: {  	s25 =	sshrl.u32 s14, $0x3;
	s9 =	rddreg [dreg:$0x10];
	s4 =	sor.u32 $0x1C0B, s24  }
0x30: {  	[hbm:s9], [sflag:s4] =	dma.local [spmem:s25], $0x200  }
0x31: {  	_ =	swait.ge [sflag:s23], $0x200  }
0x32: {  	s28 =	sadd.s32 $0x1, s28;
	s26 =	rddreg [dreg:$0x11]  }
0x33: {  	p1 =	sne.s32 s28, s26  }
.Ltmp1:
0x34: {  	_ = 	snop;
	(pc) =	sbr.rel @!p1 .LBB2_10-.Ltmp1, $3  }
0x35: {  	_ =	sdelay $0x1  }
0x36: {  	[sflag:s23] =	ssyncset.done $0x0  }
0x37: {  	s7 =	smov.u32 s14;
	[sflag:s23] =	ssyncadd.s32 $0xFFFFFE00  }
.LBB2_1:
0x38: {  	s4 =	rddreg [dreg:$0x7];
	s5 =	simm.s32 $0x1B100  }
0x39: {  	[tilespmem:s5], [sflag:$0xB] =	stream.linear.gather [hbm4b:s4+s3], $0x1000, $0x38;
	[tilespmem:$0x1D300] =	vst v63  }
0x3a: {  	_ =	swait.ge [sflag:s23], $0x1000  }
0x3b: {  	[sflag:s23] =	ssyncset.done $0x0  }
0x3c: {  	s11 =	rddreg [dreg:$0x8];
	[sflag:s23] =	ssyncadd.s32 $0xFFFFF000  }
0x3d: {  	[tilespmem:s12], [sflag:$0xB] =	stream.linear.gather [hbm4b:s11+s3], $0x200, $0x38;
	[tilespmem:$0x1D300] =	vst v63  }
0x3e: {  	_ =	swait.ge [sflag:s23], $0x200  }
0x3f: {  	[sflag:s23] =	ssyncset.done $0x0  }
0x40: {  	[sflag:s23] =	ssyncadd.s32 $0xFFFFFE00  }
0x41: {  	[spmem:s7] =	stream.linear.scatter [tilespmem:s5], [sflag:$0xB], $0x1000, $0x38;
	[tilespmem:$0x1D300] =	vst v63  }
0x42: {  	_ =	swait.ge [sflag:s23], $0x1000  }
0x43: {  	[sflag:s23] =	ssyncset.done $0x0  }
0x44: {  	[sflag:s23] =	ssyncadd.s32 $0xFFFFF000  }
0x45: {  	[bflag:$0x0] =	sbarrier.arrive $0xFFFF  }
0x46: {  	s15 =	simm.s32 $0x19000;
	s13 =	rddreg [dreg:$0xc]  }
0x47: {  	[tilespmem:s15], [sflag:$0xB] =	stream.linear.gather [hbm4b:s13+s3], $0x1400, $0x38;
	[tilespmem:$0x1D300] =	vst v63  }
0x48: {  	_ =	swait.ge [sflag:s23], $0x1400  }
0x49: {  	[sflag:s23] =	ssyncset.done $0x0  }
0x4a: {  	s18 =	simm.s32 $0x1A410;
	s17 =	rddreg [dreg:$0xa];
	[sflag:s23] =	ssyncadd.s32 $0xFFFFEC00  }
0x4b: {  	[tilespmem:s18], [sflag:$0xB] =	stream.linear.gather [hbm4b:s17+s3], $0xC80, $0x38;
	[tilespmem:$0x1D300] =	vst v63  }
0x4c: {  	_ =	swait.ge [sflag:s23], $0xC80  }
0x4d: {  	[sflag:s23] =	ssyncset.done $0x0  }
0x4e: {  	s20 =	rddreg [dreg:$0xd];
	[sflag:s23] =	ssyncadd.s32 $0xFFFFF380  }
0x4f: {  	[tilespmem:s3], [sflag:$0x1] =	stream.linear.gather [hbm4b:s20+s3], $0x5000, $0x38;
	[tilespmem:$0x1D300] =	vst v63  }
0x50: {  	s24 =	simm.s32 $0x5000;
	s22 =	rddreg [dreg:$0xf]  }
0x51: {  	[tilespmem:s24], [sflag:$0x2] =	stream.linear.gather [hbm4b:s22+s3], $0x5000, $0x38;
	[tilespmem:$0x1D300] =	vst v63  }
0x52: {  	_ =	swait.ge [sflag:s29], $0x5000  }
0x53: {  	[sflag:s29] =	ssyncset.done $0x0  }
0x54: {  	s25 =	sadd.s32 $0x0, s19;
	[sflag:s29] =	ssyncadd.s32 $0xFFFFB000  }
0x55: {  	[spmem:s2] =	stream.indirect.scatter.add.f32 [tilespmem:s3], [sflag:$0x6], $0x80, s25, s30, $0xb8;
	[tilespmem:$0x1D300] =	vst v63  }
0x56: {  	p2 =	por $0x1, $0x1;
	s4 =	sadd.s32 $0x80, s25;
	s26 =	rddreg [dreg:$0x6]  }
0x57: {  	[spmem:s2] =	stream.indirect.scatter.add.f32 [tilespmem:s26], [sflag:$0x6], $0x80, s4, s30, $0xb8;
	[tilespmem:$0x1D300] =	vst v63  }
0x58: {  	s4 =	simm.s32 @!p2 $0x8  }
0x59: {  	_ =	swait.ge @!p2 [sflag:s4], $0x2800  }
0x5a: {  	[sflag:s4] =	ssyncset.done @!p2 $0x0  }
0x5b: {  	[sflag:s4] =	ssyncadd.s32 @!p2 $0xFFFFD800  }
0x5c: {  	p3 =	sle.u32 s6, $0x2;
	p1 =	sle.u32 s6, $0x1;
	_ =	swait.ge @!p2 [sflag:s4], $0x2800  }
0x5d: {  	s9 =	simm.s32 @!p3 $0x0;
	s11 =	simm.s32 @!p3 $0xA000;
	[sflag:s4] =	ssyncset.done @!p2 $0x0  }
0x5e: {  	s12 =	simm.s32 @!p1 $0x2;
	s5 =	sadd.s32 @!p3 $0xFFFFD800, s10;
	[sflag:s4] =	ssyncadd.s32 @!p2 $0xFFFFD800  }
0x5f: {  	[tilespmem:s11], [sflag:$0x3] =	stream.linear.gather @!p3 [hbm4b:s5+s9], $0x5000, $0x38;
	[tilespmem:$0x1D300] =	vst v63  }
0x60: {  	s4 =	sadd.s32 @!p1 $0x0, s19;
	_ =	swait.ge @!p1 [sflag:s12], $0x5000  }
0x61: {  	s5 =	sadd.s32 @!p1 $0x100, s4;
	[sflag:s12] =	ssyncset.done @!p1 $0x0  }
0x62: {  	s9 =	simm.s32 @!p1 $0x50;
	[sflag:s12] =	ssyncadd.s32 @!p1 $0xFFFFB000;
	s12 =	simm.s32 @!p1 $0x5000  }
0x63: {  	[spmem:s2] =	stream.indirect.scatter.add.f32 @!p1 [tilespmem:s12], [sflag:$0x7], $0x80, s5, s9, $0xb8;
	[tilespmem:$0x1D300] =	vst v63  }
0x64: {  	s4 =	sadd.s32 @!p1 $0x180, s4;
	s5 =	simm.s32 @!p1 $0x7800;
	s12 =	simm.s32 @!p2 $0x9  }
0x65: {  	[spmem:s2] =	stream.indirect.scatter.add.f32 @!p1 [tilespmem:s5], [sflag:$0x7], $0x80, s4, s9, $0xb8;
	[tilespmem:$0x1D300] =	vst v63  }
0x66: {  	_ =	swait.ge @!p2 [sflag:s12], $0x2800  }
0x67: {  	[sflag:s12] =	ssyncset.done @!p2 $0x0  }
0x68: {  	[sflag:s12] =	ssyncadd.s32 @!p2 $0xFFFFD800  }
0x69: {  	p4 =	sle.u32 s6, $0x3;
	_ =	swait.ge @!p2 [sflag:s12], $0x2800  }
0x6a: {  	s20 =	simm.s32 @!p4 $0x0;
	s4 =	simm.s32 @!p4 $0xF000;
	[sflag:s12] =	ssyncset.done @!p2 $0x0  }
0x6b: {  	s5 =	simm.s32 @!p3 $0x3;
	s9 =	sadd.s32 @!p4 $0xFFFFE200, s10;
	[sflag:s12] =	ssyncadd.s32 @!p2 $0xFFFFD800  }
0x6c: {  	[tilespmem:s4], [sflag:$0x4] =	stream.linear.gather @!p4 [hbm4b:s9+s20], $0x5000, $0x38;
	[tilespmem:$0x1D300] =	vst v63  }
0x6d: {  	_ =	swait.ge @!p3 [sflag:s5], $0x5000  }
0x6e: {  	s9 =	sadd.s32 @!p3 $0x0, s19;
	[sflag:s5] =	ssyncset.done @!p3 $0x0  }
0x6f: {  	s12 =	sadd.s32 @!p3 $0x200, s9;
	[sflag:s5] =	ssyncadd.s32 @!p3 $0xFFFFB000;
	s5 =	simm.s32 @!p3 $0x50  }
0x70: {  	[spmem:s2] =	stream.indirect.scatter.add.f32 @!p3 [tilespmem:s11], [sflag:$0x8], $0x80, s12, s5, $0xb8;
	[tilespmem:$0x1D300] =	vst v63  }
0x71: {  	s9 =	sadd.s32 @!p3 $0x280, s9;
	s11 =	simm.s32 @!p3 $0xC800;
	s12 =	simm.s32 @!p2 $0xA  }
0x72: {  	[spmem:s2] =	stream.indirect.scatter.add.f32 @!p3 [tilespmem:s11], [sflag:$0x8], $0x80, s9, s5, $0xb8;
	[tilespmem:$0x1D300] =	vst v63  }
0x73: {  	_ =	swait.ge @!p2 [sflag:s12], $0x2800  }
0x74: {  	[sflag:s12] =	ssyncset.done @!p2 $0x0  }
0x75: {  	[sflag:s12] =	ssyncadd.s32 @!p2 $0xFFFFD800  }
0x76: {  	p3 =	sle.u32 s6, $0x4;
	_ =	swait.ge @!p2 [sflag:s12], $0x2800  }
0x77: {  	s9 =	simm.s32 @!p4 $0x4;
	s5 =	simm.s32 @!p3 $0x14000;
	[sflag:s12] =	ssyncset.done @!p2 $0x0  }
0x78: {  	s11 =	sadd.s32 @!p3 $0xFFFFEC00, s10;
	s20 =	simm.s32 @!p3 $0x0;
	[sflag:s12] =	ssyncadd.s32 @!p2 $0xFFFFD800  }
0x79: {  	[tilespmem:s5], [sflag:$0x5] =	stream.linear.gather @!p3 [hbm4b:s11+s20], $0x5000, $0x38;
	[tilespmem:$0x1D300] =	vst v63  }
0x7a: {  	_ =	swait.ge @!p4 [sflag:s9], $0x5000  }
0x7b: {  	s11 =	sadd.s32 @!p4 $0x0, s19;
	[sflag:s9] =	ssyncset.done @!p4 $0x0  }
0x7c: {  	s20 =	simm.s32 @!p4 $0x50;
	s12 =	sadd.s32 @!p4 $0x300, s11;
	[sflag:s9] =	ssyncadd.s32 @!p4 $0xFFFFB000  }
0x7d: {  	[spmem:s2] =	stream.indirect.scatter.add.f32 @!p4 [tilespmem:s4], [sflag:$0x9], $0x80, s12, s20, $0xb8;
	[tilespmem:$0x1D300] =	vst v63  }
0x7e: {  	s9 =	simm.s32 @!p4 $0x11800;
	s4 =	sadd.s32 @!p4 $0x380, s11  }
0x7f: {  	[spmem:s2] =	stream.indirect.scatter.add.f32 @!p4 [tilespmem:s9], [sflag:$0x9], $0x80, s4, s20, $0xb8;
	[tilespmem:$0x1D300] =	vst v63  }
0x80: {  	_ =	swait.ge [sflag:s31], $0x2800  }
0x81: {  	[sflag:s31] =	ssyncset.done $0x0  }
0x82: {  	[sflag:s31] =	ssyncadd.s32 $0xFFFFD800  }
0x83: {  	p2 =	sle.u32 s6, $0x5;
	_ =	swait.ge [sflag:s31], $0x2800  }
0x84: {  	s14 =	smov.u32 s7;
	s11 =	simm.s32 @!p2 $0x0;
	[sflag:s31] =	ssyncset.done $0x0  }
0x85: {  	s4 =	sadd.s32 @!p2 $0xFFFFF600, s10;
	s9 =	simm.s32 @!p3 $0x5;
	[sflag:s31] =	ssyncadd.s32 $0xFFFFD800  }
0x86: {  	[tilespmem:s11], [sflag:$0x1] =	stream.linear.gather @!p2 [hbm4b:s4+s11], $0x5000, $0x38;
	[tilespmem:$0x1D300] =	vst v63  }
0x87: {  	s25 =	smov.u32 s10;
	s26 =	simm.s32 $0x1400;
	_ =	swait.ge @!p3 [sflag:s9], $0x5000  }
0x88: {  	s12 =	simm.s32 @!p3 $0x50;
	s4 =	sadd.s32 @!p3 $0x0, s19;
	[sflag:s9] =	ssyncset.done @!p3 $0x0  }
0x89: {  	s20 =	smov.u32 s10;
	s11 =	sadd.s32 @!p3 $0x400, s4;
	[sflag:s9] =	ssyncadd.s32 @!p3 $0xFFFFB000  }
0x8a: {  	[spmem:s2] =	stream.indirect.scatter.add.f32 @!p3 [tilespmem:s5], [sflag:$0xA], $0x80, s11, s12, $0xb8;
	[tilespmem:$0x1D300] =	vst v63  }
0x8b: {  	s4 =	sadd.s32 @!p3 $0x480, s4;
	s9 =	simm.s32 @!p1 $0x7;
	s5 =	simm.s32 @!p3 $0x16800  }
0x8c: {  	[spmem:s2] =	stream.indirect.scatter.add.f32 @!p3 [tilespmem:s5], [sflag:$0xA], $0x80, s4, s12, $0xb8;
	[tilespmem:$0x1D300] =	vst v63  }
0x8d: {  	s5 =	simm.s32 $0xB;
	s4 =	simm.s32 $0x6;
	_ =	swait.ge @!p1 [sflag:s9], $0x2800  }
.LBB2_2:
0x8e: {  	[sflag:s9] =	ssyncset.done @!p1 $0x0  }
0x8f: {  	[sflag:s9] =	ssyncadd.s32 @!p1 $0xFFFFD800  }
0x90: {  	_ =	swait.ge @!p1 [sflag:s9], $0x2800  }
0x91: {  	p3 =	sge.u32 s4, s6;
	[sflag:s9] =	ssyncset.done @!p1 $0x0  }
0x92: {  	s13 =	simm.s32 @!p3 $0x5000;
	[sflag:s9] =	ssyncadd.s32 @!p1 $0xFFFFD800;
	s9 =	simm.s32 @!p3 $0x0  }
0x93: {  	[tilespmem:s13], [sflag:$0x2] =	stream.linear.gather @!p3 [hbm4b:s20+s9], $0x5000, $0x38;
	[tilespmem:$0x1D300] =	vst v63  }
0x94: {  	s11 =	smov.u32 s26;
	_ =	swait.ge [sflag:s29], $0x5000  }
0x95: {  	s12 =	sshra.s32 s11, $0x2;
	[sflag:s29] =	ssyncset.done $0x0  }
0x96: {  	s22 =	sadd.s32 s12, s19;
	p3 =	seq.s32 s11, $0x0;
	[sflag:s29] =	ssyncadd.s32 $0xFFFFB000  }
0x97: {  	[spmem:s2] =	stream.indirect.scatter.add.f32 [tilespmem:s3], [sflag:$0x6], $0x80, s22, s30, $0xb8;
	[tilespmem:$0x1D300] =	vst v63  }
0x98: {  	s9 =	sadd.s32 $0x80, s22;
	s12 =	simm.s32 @!p3 $0x8;
	s24 =	rddreg [dreg:$0x6]  }
0x99: {  	[spmem:s2] =	stream.indirect.scatter.add.f32 [tilespmem:s24], [sflag:$0x6], $0x80, s9, s30, $0xb8;
	[tilespmem:$0x1D300] =	vst v63  }
0x9a: {  	_ =	swait.ge @!p3 [sflag:s12], $0x2800  }
0x9b: {  	s25 =	sadd.s32 $0x3200, s25;
	s7 =	sadd.s32 $0xFFFFFFFC, s5;
	[sflag:s12] =	ssyncset.done @!p3 $0x0  }
0x9c: {  	s15 =	sadd.s32 $0xFFFFFFFB, s5;
	p4 =	sge.u32 s7, s6;
	[sflag:s12] =	ssyncadd.s32 @!p3 $0xFFFFD800  }
0x9d: {  	p1 =	sge.u32 s15, s6;
	s15 =	simm.s32 @!p4 $0x0;
	_ =	swait.ge @!p3 [sflag:s12], $0x2800  }
0x9e: {  	s13 =	sadd.s32 @!p4 $0xFFFFD800, s25;
	s17 =	simm.s32 @!p1 $0x2;
	[sflag:s12] =	ssyncset.done @!p3 $0x0  }
0x9f: {  	s22 =	sshra.s32 @!p1 s11, $0x2;
	s9 =	simm.s32 @!p4 $0xA000;
	[sflag:s12] =	ssyncadd.s32 @!p3 $0xFFFFD800  }
0xa0: {  	[tilespmem:s9], [sflag:$0x3] =	stream.linear.gather @!p4 [hbm4b:s13+s15], $0x5000, $0x38;
	[tilespmem:$0x1D300] =	vst v63  }
0xa1: {  	s22 =	sadd.s32 @!p1 s22, s19;
	_ =	swait.ge @!p1 [sflag:s17], $0x5000  }
0xa2: {  	s18 =	sadd.s32 @!p1 $0x100, s22;
	[sflag:s17] =	ssyncset.done @!p1 $0x0  }
0xa3: {  	s13 =	simm.s32 @!p1 $0x50;
	[sflag:s17] =	ssyncadd.s32 @!p1 $0xFFFFB000;
	s17 =	simm.s32 @!p1 $0x5000  }
0xa4: {  	[spmem:s2] =	stream.indirect.scatter.add.f32 @!p1 [tilespmem:s17], [sflag:$0x7], $0x80, s18, s13, $0xb8;
	[tilespmem:$0x1D300] =	vst v63  }
0xa5: {  	s22 =	sadd.s32 @!p1 $0x180, s22;
	s17 =	simm.s32 @!p1 $0x7800;
	s18 =	simm.s32 @!p3 $0x9  }
0xa6: {  	[spmem:s2] =	stream.indirect.scatter.add.f32 @!p1 [tilespmem:s17], [sflag:$0x7], $0x80, s22, s13, $0xb8;
	[tilespmem:$0x1D300] =	vst v63  }
0xa7: {  	_ =	swait.ge @!p3 [sflag:s18], $0x2800  }
0xa8: {  	[sflag:s18] =	ssyncset.done @!p3 $0x0  }
0xa9: {  	s17 =	sadd.s32 $0xFFFFFFFD, s5;
	[sflag:s18] =	ssyncadd.s32 @!p3 $0xFFFFD800  }
0xaa: {  	p5 =	sge.u32 s17, s6;
	_ =	swait.ge @!p3 [sflag:s18], $0x2800  }
0xab: {  	s17 =	simm.s32 @!p4 $0x3;
	s13 =	simm.s32 @!p5 $0xF000;
	[sflag:s18] =	ssyncset.done @!p3 $0x0  }
0xac: {  	s22 =	sadd.s32 @!p5 $0xFFFFE200, s25;
	s24 =	simm.s32 @!p5 $0x0;
	[sflag:s18] =	ssyncadd.s32 @!p3 $0xFFFFD800  }
0xad: {  	[tilespmem:s13], [sflag:$0x4] =	stream.linear.gather @!p5 [hbm4b:s22+s24], $0x5000, $0x38;
	[tilespmem:$0x1D300] =	vst v63  }
0xae: {  	s12 =	sshra.s32 @!p4 s11, $0x2;
	_ =	swait.ge @!p4 [sflag:s17], $0x5000  }
0xaf: {  	s12 =	sadd.s32 @!p4 s12, s19;
	[sflag:s17] =	ssyncset.done @!p4 $0x0  }
0xb0: {  	s15 =	sadd.s32 @!p4 $0x200, s12;
	[sflag:s17] =	ssyncadd.s32 @!p4 $0xFFFFB000;
	s17 =	simm.s32 @!p4 $0x50  }
0xb1: {  	[spmem:s2] =	stream.indirect.scatter.add.f32 @!p4 [tilespmem:s9], [sflag:$0x8], $0x80, s15, s17, $0xb8;
	[tilespmem:$0x1D300] =	vst v63  }
0xb2: {  	s12 =	sadd.s32 @!p4 $0x280, s12;
	s9 =	simm.s32 @!p4 $0xC800;
	s15 =	simm.s32 @!p3 $0xA  }
0xb3: {  	[spmem:s2] =	stream.indirect.scatter.add.f32 @!p4 [tilespmem:s9], [sflag:$0x8], $0x80, s12, s17, $0xb8;
	[tilespmem:$0x1D300] =	vst v63  }
0xb4: {  	_ =	swait.ge @!p3 [sflag:s15], $0x2800  }
0xb5: {  	[sflag:s15] =	ssyncset.done @!p3 $0x0  }
0xb6: {  	s22 =	sadd.s32 $0xFFFFFFFE, s5;
	[sflag:s15] =	ssyncadd.s32 @!p3 $0xFFFFD800  }
0xb7: {  	p4 =	sge.u32 s22, s6;
	_ =	swait.ge @!p3 [sflag:s15], $0x2800  }
0xb8: {  	s12 =	simm.s32 @!p5 $0x4;
	s9 =	simm.s32 @!p4 $0x14000;
	[sflag:s15] =	ssyncset.done @!p3 $0x0  }
0xb9: {  	s17 =	sadd.s32 @!p4 $0xFFFFEC00, s25;
	s22 =	simm.s32 @!p4 $0x0;
	[sflag:s15] =	ssyncadd.s32 @!p3 $0xFFFFD800  }
0xba: {  	[tilespmem:s9], [sflag:$0x5] =	stream.linear.gather @!p4 [hbm4b:s17+s22], $0x5000, $0x38;
	[tilespmem:$0x1D300] =	vst v63  }
0xbb: {  	s7 =	sshra.s32 @!p5 s11, $0x2;
	_ =	swait.ge @!p5 [sflag:s12], $0x5000  }
0xbc: {  	s7 =	sadd.s32 @!p5 s7, s19;
	[sflag:s12] =	ssyncset.done @!p5 $0x0  }
0xbd: {  	s18 =	sadd.s32 @!p5 $0x300, s7;
	s15 =	simm.s32 @!p5 $0x50;
	[sflag:s12] =	ssyncadd.s32 @!p5 $0xFFFFB000  }
0xbe: {  	[spmem:s2] =	stream.indirect.scatter.add.f32 @!p5 [tilespmem:s13], [sflag:$0x9], $0x80, s18, s15, $0xb8;
	[tilespmem:$0x1D300] =	vst v63  }
0xbf: {  	s7 =	sadd.s32 @!p5 $0x380, s7;
	s12 =	simm.s32 @!p5 $0x11800  }
0xc0: {  	[spmem:s2] =	stream.indirect.scatter.add.f32 @!p5 [tilespmem:s12], [sflag:$0x9], $0x80, s7, s15, $0xb8;
	[tilespmem:$0x1D300] =	vst v63  }
0xc1: {  	_ =	swait.ge [sflag:s31], $0x2800  }
0xc2: {  	[sflag:s31] =	ssyncset.done $0x0  }
0xc3: {  	s24 =	sadd.s32 $0xFFFFFFFF, s5;
	[sflag:s31] =	ssyncadd.s32 $0xFFFFD800  }
0xc4: {  	s26 =	sadd.s32 $0x1400, s26;
	p3 =	sge.u32 s24, s6;
	_ =	swait.ge [sflag:s31], $0x2800  }
0xc5: {  	s11 =	sshra.s32 @!p4 s11, $0x2;
	s13 =	simm.s32 @!p3 $0x0;
	[sflag:s31] =	ssyncset.done $0x0  }
0xc6: {  	s7 =	sadd.s32 @!p3 $0xFFFFF600, s25;
	s12 =	simm.s32 @!p4 $0x5;
	[sflag:s31] =	ssyncadd.s32 $0xFFFFD800  }
0xc7: {  	[tilespmem:s13], [sflag:$0x1] =	stream.linear.gather @!p3 [hbm4b:s7+s13], $0x5000, $0x38;
	[tilespmem:$0x1D300] =	vst v63  }
0xc8: {  	s4 =	smov.u32 s5;
	s11 =	sadd.s32 @!p4 s11, s19;
	_ =	swait.ge @!p4 [sflag:s12], $0x5000  }
0xc9: {  	p2 =	sne.s32 s26, $0x5000;
	s17 =	sadd.s32 @!p4 $0x400, s11;
	[sflag:s12] =	ssyncset.done @!p4 $0x0  }
.Ltmp2:
0xca: {  	s7 =	simm.s32 @!p4 $0x50;
	[sflag:s12] =	ssyncadd.s32 @!p4 $0xFFFFB000;
	(pc) =	sbr.rel @p2 .LBB2_2-.Ltmp2, $4  }
0xcb: {  	[spmem:s2] =	stream.indirect.scatter.add.f32 @!p4 [tilespmem:s9], [sflag:$0xA], $0x80, s17, s7, $0xb8;
	[tilespmem:$0x1D300] =	vst v63  }
0xcc: {  	s11 =	sadd.s32 @!p4 $0x480, s11;
	s12 =	simm.s32 @!p4 $0x16800;
	s9 =	simm.s32 @!p1 $0x7  }
0xcd: {  	[spmem:s2] =	stream.indirect.scatter.add.f32 @!p4 [tilespmem:s12], [sflag:$0xA], $0x80, s11, s7, $0xb8;
	[tilespmem:$0x1D300] =	vst v63  }
0xce: {  	s20 =	smov.u32 s25;
	s5 =	sadd.s32 $0x5, s5;
	_ =	swait.ge @!p1 [sflag:s9], $0x2800  }
0xcf: {  	[sflag:s9] =	ssyncset.done @!p1 $0x0  }
0xd0: {  	[sflag:s9] =	ssyncadd.s32 @!p1 $0xFFFFD800  }
0xd1: {  	_ =	swait.ge @!p1 [sflag:s9], $0x2800  }
0xd2: {  	p2 =	sge.u32 s4, s6;
	[sflag:s9] =	ssyncset.done @!p1 $0x0  }
0xd3: {  	s4 =	simm.s32 @!p2 $0x0;
	s5 =	simm.s32 @!p2 $0x5000;
	[sflag:s9] =	ssyncadd.s32 @!p1 $0xFFFFD800  }
0xd4: {  	[tilespmem:s5], [sflag:$0x2] =	stream.linear.gather @!p2 [hbm4b:s20+s4], $0x5000, $0x38;
	[tilespmem:$0x1D300] =	vst v63  }
0xd5: {  	_ =	swait.ge [sflag:s1], $0x2800  }
0xd6: {  	[sflag:s1] =	ssyncset.done $0x0  }
0xd7: {  	[sflag:s1] =	ssyncadd.s32 $0xFFFFD800  }
0xd8: {  	_ =	swait.ge [sflag:s1], $0x2800  }
0xd9: {  	[sflag:s1] =	ssyncset.done $0x0  }
0xda: {  	[sflag:s1] =	ssyncadd.s32 $0xFFFFD800  }
0xdb: {  	_ =	swait.ge [sflag:s0], $0x2800  }
0xdc: {  	[sflag:s0] =	ssyncset.done $0x0  }
0xdd: {  	[sflag:s0] =	ssyncadd.s32 $0xFFFFD800  }
0xde: {  	_ =	swait.ge [sflag:s0], $0x2800  }
0xdf: {  	[sflag:s0] =	ssyncset.done $0x0  }
0xe0: {  	s4 =	simm.s32 @!p0 $0xA;
	[sflag:s0] =	ssyncadd.s32 $0xFFFFD800  }
0xe1: {  	_ =	swait.ge @!p0 [sflag:s4], $0x2800  }
0xe2: {  	[sflag:s4] =	ssyncset.done @!p0 $0x0  }
0xe3: {  	[sflag:s4] =	ssyncadd.s32 @!p0 $0xFFFFD800  }
0xe4: {  	_ =	swait.ge @!p0 [sflag:s4], $0x2800  }
0xe5: {  	[sflag:s4] =	ssyncset.done @!p0 $0x0  }
0xe6: {  	s26 =	rddreg [dreg:$0xe];
	[sflag:s4] =	ssyncadd.s32 @!p0 $0xFFFFD800  }
0xe7: {  	p1 =	sne.s32 s26, $0x1;
	v4 =	vld [tilespmem:s21+$0x0]  }
.Ltmp3:
0xe8: {  	v5 =	vld [tilespmem:s21+$0xFFFFFFFF];
	(pc) =	sbr.rel @!p1 .LBB2_5-.Ltmp3, $2  }
0xe9: {  	_ =	sdelay $0x2  }
0xea: {  	v3 =	vimm.s32 $0x0;
	s5 =	sadd.s32 $0x10, s21;
	s4 =	sadd.s32 $0xFFFFFFFF, s26  }
.LBB2_4:
0xeb: {  	vm0 =	vne.s32 v4, v5;
	v4 =	vld [tilespmem:s5+$0x0];
	p1 =	sne.s32 s4, $0x1  }
.Ltmp4:
0xec: {  	s4 =	sadd.s32 $0xFFFFFFFF, s4;
	v5 =	vld [tilespmem:s5+$0xFFFFFFFF];
	v6 =	vsel vm0, $0x1, v1;
	(pc) =	sbr.rel @p1 .LBB2_4-.Ltmp4, $2  }
0xed: {  	v3 =	vadd.s32 v6, v3;
	_ =	sdelay $0x2  }
0xee: {  	s5 =	sadd.s32 $0x10, s5  }
.LBB2_5:
0xef: {  	v6 =	vld [tilespmem:s16+$0x1A400]  }
0xf0: {  	v7 =	vld [tilespmem:s16+$0x1A410];
	_ =	sdelay $0x2  }
0xf1: {  	vm0 =	vne.s32 v4, v5  }
0xf2: {  	v4 =	vsel vm0, $0x1, v1;
	(v2sf) =	vpush v6, $0xF  }
0xf3: {  	v3 =	vadd.s32 v4, v3;
	(v2sf) =	vpush v7, $0x0  }
0xf4: {  	(v2sf) =	vpush v3, $0x0  }
0xf5: {  	(v2sf) =	vpush v3, $0x1  }
0xf6: {  	(v2sf) =	vpush v3, $0x2  }
0xf7: {  	(v2sf) =	vpush v3, $0x3  }
0xf8: {  	(v2sf) =	vpush v3, $0x4  }
0xf9: {  	(v2sf) =	vpush v3, $0x5  }
0xfa: {  	(v2sf) =	vpush v3, $0x6  }
0xfb: {  	(v2sf) =	vpush v3, $0x7  }
0xfc: {  	(v2sf) =	vpush v3, $0x8  }
0xfd: {  	(v2sf) =	vpush v3, $0x9  }
0xfe: {  	(v2sf) =	vpush v3, $0xA  }
0xff: {  	(v2sf) =	vpush v3, $0xB  }
0x100: {  	(v2sf) =	vpush v3, $0xC  }
0x101: {  	s4 =	spop (v2sf);
	(v2sf) =	vpush v3, $0xD  }
0x102: {  	s5 =	spop (v2sf);
	(v2sf) =	vpush v3, $0xE  }
0x103: {  	s7 =	spop (v2sf);
	(v2sf) =	vpush v3, $0xF  }
0x104: {  	s9 =	spop (v2sf)  }
0x105: {  	s7 =	sadd.s32 s9, s7;
	s22 =	spop (v2sf)  }
0x106: {  	s7 =	sadd.s32 s22, s7;
	s24 =	spop (v2sf)  }
0x107: {  	s7 =	sadd.s32 s24, s7;
	s25 =	spop (v2sf)  }
0x108: {  	s7 =	sadd.s32 s25, s7;
	s26 =	spop (v2sf)  }
0x109: {  	s7 =	sadd.s32 s26, s7;
	s11 =	spop (v2sf)  }
0x10a: {  	s7 =	sadd.s32 s11, s7;
	s12 =	spop (v2sf)  }
0x10b: {  	s7 =	sadd.s32 s12, s7;
	s13 =	spop (v2sf)  }
0x10c: {  	s7 =	sadd.s32 s13, s7;
	s15 =	spop (v2sf)  }
0x10d: {  	s7 =	sadd.s32 s15, s7;
	s17 =	spop (v2sf)  }
0x10e: {  	s7 =	sadd.s32 s17, s7;
	s18 =	spop (v2sf)  }
0x10f: {  	s7 =	sadd.s32 s18, s7;
	s20 =	spop (v2sf)  }
0x110: {  	s7 =	sadd.s32 s20, s7;
	s22 =	spop (v2sf)  }
0x111: {  	p1 =	seq.s32 s4, s5;
	s24 =	spop (v2sf);
	s25 =	sadd.s32 s22, s7  }
0x112: {  	s7 =	simm.s32 $0x1;
	s4 =	sadd.s32 s24, s25;
	s26 =	spop (v2sf)  }
0x113: {  	s7 =	simm.s32 @!p1 $0x0;
	s4 =	sadd.s32 s26, s4  }
0x114: {  	s4 =	sadd.s32 s7, s4  }
0x115: {  	p1 =	slt.s32 s4, $0x1  }
.Ltmp5:
0x116: {  	_ = 	snop;
	(pc) =	sbr.rel @p1 .LBB2_9-.Ltmp5, $2  }
0x117: {  	_ =	sdelay $0x2  }
0x118: {  	s5 =	simm.s32 $0x0;
	s20 =	simm.s32 $0x0  }
.LBB2_6:
0x119: {  	_ =	sdelay $0x3  }
0x11a: {  	v3 =	vld.idx.msk [tilespmem:v0+s20+$0x10 ss:$0x1], $0xffff;
	_ =	sdelay $0x4  }
0x11b: {  	(v2sf) =	vpush v3, $0x0;
	_ =	sdelay $0xd  }
0x11c: {  	s11 =	sadd.s32 $0x1, s20;
	s9 =	simm.s32 $0xB;
	s26 =	smov.u32 s8  }
0x11d: {  	s12 =	sadd.s32 s11, s8;
	p1 =	slt.s32 s11, s8;
	s25 =	spop (v2sf)  }
.LBB2_7:
0x11e: {  	p2 =	sne.s32 s9, $0x1;
	s7 =	sand.u32 $0x1, s12  }
0x11f: {  	p3 =	slt.s32 s12, $0x1;
	p4 =	seq.s32 s7, $0x1  }
0x120: {  	s7 =	sshrl.u32 s12, $0x1F;
	p3 =	por !p3, !p4  }
0x121: {  	s7 =	sadd.s32 s7, s12;
	s12 =	simm.s32 $0x1;
	p3 =	por !p3, !p3  }
0x122: {  	s7 =	sshra.s32 s7, $0x1;
	s12 =	simm.s32 @!p3 $0x0  }
0x123: {  	s7 =	ssub.s32 s7, s12  }
0x124: {  	v3 =	vld.idx.msk [tilespmem:v0+s7+$0x10 ss:$0x1], $0xffff;
	s12 =	sadd.s32 $0x1, s7;
	_ =	sdelay $0x5  }
0x125: {  	(v2sf) =	vpush v3, $0x0;
	_ =	sdelay $0xe  }
0x126: {  	s13 =	spop (v2sf)  }
0x127: {  	p3 =	seq.s32 s13, s25  }
.Ltmp6:
0x128: {  	p3 =	por !p1, !p3;
	(pc) =	sbr.rel @p2 .LBB2_7-.Ltmp6, $4  }
0x129: {  	p3 =	por !p3, !p3  }
0x12a: {  	s11 =	smov.u32 @p3 s12;
	s7 =	smov.u32 @p3 s26  }
0x12b: {  	s26 =	smov.u32 @p1 s7  }
0x12c: {  	s9 =	sadd.s32 $0xFFFFFFFF, s9;
	s12 =	sadd.s32 s11, s26;
	p1 =	slt.s32 s11, s26  }
0x12d: {  	s7 =	sand.u32 $0x1, s12  }
0x12e: {  	p2 =	slt.s32 s12, $0x1;
	p3 =	seq.s32 s7, $0x1  }
0x12f: {  	s22 =	sshrl.u32 s12, $0x1F;
	p2 =	por !p2, !p3  }
0x130: {  	s9 =	simm.s32 $0x1;
	s7 =	sadd.s32 s22, s12;
	p2 =	por !p2, !p2  }
0x131: {  	s7 =	sshra.s32 s7, $0x1;
	s9 =	simm.s32 @!p2 $0x0  }
0x132: {  	s7 =	ssub.s32 s7, s9  }
0x133: {  	v3 =	vld.idx.msk [tilespmem:v0+s7+$0x10 ss:$0x1], $0xffff;
	_ =	sdelay $0x4  }
0x134: {  	(v2sf) =	vpush v3, $0x0;
	_ =	sdelay $0xe  }
0x135: {  	s24 =	spop (v2sf)  }
0x136: {  	p6 =	seq.s32 s24, s25  }
0x137: {  	p2 =	slt.s32 s25, $0x1F0;
	p1 =	por !p1, !p6  }
0x138: {  	s9 =	smov.u32 s25;
	s7 =	sadd.s32 $0x1, s7;
	p1 =	por !p1, !p1  }
0x139: {  	s9 =	simm.s32 @!p2 $0x1F0;
	s11 =	smov.u32 @p1 s7  }
0x13a: {  	v3 =	vld [tilespmem:s9+$0x1C100];
	s7 =	ssub.s32 s11, s20  }
0x13b: {  	s5 =	sadd.s32 $0x1, s5;
	s26 =	ssub.s32 s25, s9;
	s7 =	scvt.s32.f32 s7  }
0x13c: {  	v4 =	vmov s26;
	p1 =	slt.s32 s5, s4  }
.Ltmp7:
0x13d: {  	vm0 =	veq.s32 v4, v2;
	v63 =	vmov s7;
	(pc) =	sbr.rel @p1 .LBB2_6-.Ltmp7, $4  }
.Ltmp8:
0x13e: {  	v4 =	vnsel vm0, $0x0, v63;
	(pc) =	sbr.rel @!p1 .LBB2_9-.Ltmp8, $4  }
0x13f: {  	v3 =	vadd.f32 v3, v4  }
0x140: {  	_ = 	snop  }
0x141: {  	s20 =	smov.u32 s11;
	[tilespmem:s9+$0x1C100] =	vst v3  }
0x142: {  	_ = 	snop  }
.LBB2_10:
0x143: {  	_ =	sfence.sel $0x180000  }
0x144: {  	[bflag:$0x0] =	sbarrier.arrive $0xFFFF  }
0x145: {  	_ =	strace $0x90000047  }
0x146: {  	s0 =	stileid.u32;
	[bflag:$0x2] =	sbarrier.arrive $0xFFFF  }
0x147: {  	p0 =	sne.s32 s0, $0x0;
	s0 =	rddreg [dreg:$0x5]  }
0x148: {  	s0 =	sadd.s32 @!p0 $0x100000, s0  }
0x149: {  	[sflag:s0] =	ssyncadd.tile.s32 @!p0 $0x1;
	_ =	shalt  }
.Lfunc_end2:
_tile_overlayer_lowered:
.L_overlay_start_2:
0x14a: {  	(tag) =	ssettag $0x2  }
0x14b: {  	s0 =	rddreg [dreg:$0x0];
	s2 =	stileid.u32  }
0x14c: {  	s1 =	rddreg [dreg:$0x1];
	p0 =	sne.s32 s2, $0x0  }
0x14d: {  	s3 =	rddreg [dreg:$0x2];
	[bflag:$0x3] =	sbarrier.arrive $0xFFFF;
	s2 =	simm.s32 @!p0 $0x1C0B  }
0x14e: {  	[timem:s3], [sflag:s2] =	dma.local @!p0 [hbm:s0], s1  }
0x14f: {  	s0 =	simm.s32 @!p0 $0xB  }
0x150: {  	_ =	swait.ge @!p0 [sflag:s0], s1  }
0x151: {  	s1 =	ssub.s32 @!p0 $0x0, s1;
	[sflag:s0] =	ssyncset.done @!p0 $0x0  }
0x152: {  	[sflag:s0] =	ssyncadd.s32 @!p0 s1  }
0x153: {  	[bflag:$0x3] =	sbarrier.arrive $0xFFFF  }
0x154: {  	_ =	shalt  }

</sc_bundles>
